<compile_context>
chip_gen: v7x
topology: tpu7x:2x2x1
jax: 0.10.2.dev20260603
libtpu: 0.0.44.dev20260713+nightly
codegen_flags: <defaults>
</compile_context>

<pallas_src>
import functools
import jax
import jax.numpy as jnp
from jax import lax
from jax.experimental import pallas as pl
from jax.experimental.pallas import tpu as pltpu
from jax.experimental.pallas import tpu_sc as plsc

_ROWS = 256
_NBUF = 4
_L = 16
_GROUP = 16
_NSC = 1024


def _make_tc_body(NTC, D, R, NBUF):
    nblk = NTC // R

    def body(tok_hbm, pos_hbm, m_ref, me_ref, tw_ref, pw_ref, mw_ref,
             out_hbm, tok_buf, pos_buf, out_buf, sems):
        tw = tw_ref[0]
        pw = pw_ref[0]
        mw = mw_ref[0]
        mrow = mw * me_ref[0, :]

        def in_copies(i, slot):
            return (
                pltpu.make_async_copy(
                    tok_hbm.at[pl.ds(i * R, R), :], tok_buf.at[slot],
                    sems.at[slot, 0]),
                pltpu.make_async_copy(
                    pos_hbm.at[pl.ds(i * R, R), :], pos_buf.at[slot],
                    sems.at[slot, 1]),
            )

        def out_copy(i, slot):
            return pltpu.make_async_copy(
                out_buf.at[slot], out_hbm.at[pl.ds(i * R, R), :],
                sems.at[slot, 2])

        for k in range(min(NBUF - 1, nblk)):
            for c in in_copies(k, k % NBUF):
                c.start()

        def step(i, carry):
            slot = jax.lax.rem(i, NBUF)
            ctok, cpos = in_copies(i, slot)
            ctok.wait()
            cpos.wait()

            @pl.when(i >= NBUF)
            def _():
                out_copy(i - NBUF, slot).wait()

            m = jnp.where(m_ref[i, 0, :], 1.0, 0.0)[:, None]
            out_buf[slot] = (tw * tok_buf[slot] + pw * pos_buf[slot]
                             + m * mrow[None, :])
            out_copy(i, slot).start()

            nxt = i + NBUF - 1
            @pl.when(nxt < nblk)
            def _():
                for c in in_copies(nxt, jax.lax.rem(nxt, NBUF)):
                    c.start()

            return carry

        jax.lax.fori_loop(0, nblk, step, 0)

        tail = min(NBUF, nblk)
        for k in range(tail):
            j = nblk - tail + k
            out_copy(j, j % NBUF).wait()

    return body


def _tc_mix(tok2, pos2, maskb, me2, tw, pw, mw, N, NTC, D):
    R = _ROWS
    return pl.pallas_call(
        _make_tc_body(NTC, D, R, _NBUF),
        in_specs=[
            pl.BlockSpec(memory_space=pltpu.HBM),
            pl.BlockSpec(memory_space=pltpu.HBM),
            pl.BlockSpec(memory_space=pltpu.VMEM),
            pl.BlockSpec(memory_space=pltpu.VMEM),
            pl.BlockSpec(memory_space=pltpu.SMEM),
            pl.BlockSpec(memory_space=pltpu.SMEM),
            pl.BlockSpec(memory_space=pltpu.SMEM),
        ],
        out_specs=pl.BlockSpec(memory_space=pltpu.HBM),
        out_shape=jax.ShapeDtypeStruct((N, D), jnp.float32),
        scratch_shapes=[
            pltpu.VMEM((_NBUF, R, D), jnp.float32),
            pltpu.VMEM((_NBUF, R, D), jnp.float32),
            pltpu.VMEM((_NBUF, R, D), jnp.float32),
            pltpu.SemaphoreType.DMA((_NBUF, 3)),
        ],
    )(tok2, pos2, maskb, me2, tw, pw, mw)


def _sc_mix(N, NSC, D, NW):
    rpw = NSC // NW
    ngrp = rpw // _GROUP
    gelems = _GROUP * D
    NTC = N - NSC

    mesh = plsc.VectorSubcoreMesh(core_axis_name="c", subcore_axis_name="s")

    @functools.partial(
        pl.kernel,
        out_type=jax.ShapeDtypeStruct((NSC * D,), jnp.float32),
        mesh=mesh,
        scratch_types=[
            pltpu.VMEM((gelems,), jnp.float32),
            pltpu.VMEM((gelems,), jnp.float32),
            pltpu.VMEM((rpw * _L,), jnp.float32),
            pltpu.VMEM((D,), jnp.float32),
            pltpu.VMEM((D,), jnp.float32),
            pltpu.VMEM((_L,), jnp.float32),
            pltpu.VMEM((_L,), jnp.float32),
            pltpu.VMEM((_L,), jnp.float32),
        ],
    )
    def k(tok_hbm, pos_hbm, mask_hbm, me_hbm, tw_hbm, pw_hbm, mw_hbm,
          out_hbm, tok_buf, pos_buf, mask_buf, me_buf, mrow_buf,
          tw_buf, pw_buf, mw_buf):
        wid = lax.axis_index("s") * 2 + lax.axis_index("c")
        base = wid * rpw

        pltpu.sync_copy(tw_hbm, tw_buf)
        pltpu.sync_copy(pw_hbm, pw_buf)
        pltpu.sync_copy(mw_hbm, mw_buf)
        pltpu.sync_copy(me_hbm, me_buf)
        pltpu.sync_copy(mask_hbm.at[pl.ds(base * _L, rpw * _L)], mask_buf)

        twv = tw_buf[...]
        pwv = pw_buf[...]
        mwv = mw_buf[...]

        def scale_me(kk, _):
            sl = pl.ds(kk * _L, _L)
            mrow_buf[sl] = mwv * me_buf[sl]
            return _
        lax.fori_loop(0, D // _L, scale_me, 0)

        def group(g, _):
            src_off = (base + g * _GROUP) * D
            dst_off = (base + g * _GROUP) * D
            pltpu.sync_copy(tok_hbm.at[pl.ds(src_off, gelems)], tok_buf)
            pltpu.sync_copy(pos_hbm.at[pl.ds(src_off, gelems)], pos_buf)

            def row(j, _):
                mj = mask_buf[pl.ds((g * _GROUP + j) * _L, _L)]

                def col(kk, _):
                    sl = pl.ds(j * D + kk * _L, _L)
                    msl = pl.ds(kk * _L, _L)
                    tok_buf[sl] = (twv * tok_buf[sl] + pwv * pos_buf[sl]
                                   + mj * mrow_buf[msl])
                    return _
                lax.fori_loop(0, D // _L, col, 0)
                return _
            lax.fori_loop(0, _GROUP, row, 0)

            pltpu.sync_copy(tok_buf, out_hbm.at[pl.ds(dst_off, gelems)])
            return _
        lax.fori_loop(0, ngrp, group, 0)

    return k


def kernel(token_embeds, mask_embeds, position_embeds, mask_inds,
           token_weight, mask_weight, position_weight):
    B, S, D = token_embeds.shape
    N = B * S
    NSC = _NSC
    NTC = N - NSC
    nblk = NTC // _ROWS

    tok2 = token_embeds.reshape(N, D)
    pos2 = position_embeds.reshape(N, D)
    tok1 = tok2[NTC:].reshape(NSC * D)
    pos1 = pos2[NTC:].reshape(NSC * D)
    maskb = mask_inds.reshape(N)

    maskb_tc = maskb[:NTC].reshape(nblk, 1, _ROWS)
    maskx = jnp.broadcast_to(
        maskb[NTC:].reshape(NSC, 1).astype(jnp.float32),
        (NSC, _L)).reshape(NSC * _L)
    tw16 = jnp.broadcast_to(token_weight, (_L,))
    pw16 = jnp.broadcast_to(position_weight, (_L,))
    mw16 = jnp.broadcast_to(mask_weight, (_L,))
    me2 = mask_embeds.reshape(1, D)

    head = _tc_mix(tok2, pos2, maskb_tc, me2,
                   token_weight, position_weight, mask_weight, N, NTC, D)
    tail = _sc_mix(N, NSC, D, 32)(tok1, pos1, maskx, mask_embeds,
                                  tw16, pw16, mw16)

    out = lax.dynamic_update_slice(head, tail.reshape(NSC, D), (NTC, 0))
    return out.reshape(B, S, D)

# --- scband reference (transcript-rebuilt; emitter-appended) ---
"""Pipeline reference for scband-embedding-mixer-85100482003269 (READ-ONLY COPY).

The authoritative reference and input builder live on the scoring server;
editing this copy changes nothing except your own understanding.
"""

import jax, jax.numpy as jnp
import numpy as np

B, S, D = 4, 4096, 2048

def setup_inputs(seed: int = 0) -> dict:
    key = jax.random.key(seed)
    k1, k2, k3, k4 = jax.random.split(key, 4)
    token_embeds = jax.random.normal(k1, (B, S, D), dtype=jnp.float32)
    mask_embeds = jax.random.normal(k2, (D,), dtype=jnp.float32)
    position_embeds = jax.random.normal(k3, (B, S, D), dtype=jnp.float32)
    mask_inds = jax.random.randint(k4, (B, S), 0, 2).astype(jnp.bool_)
    # learned parameters (nn.Parameter(torch.ones(1)))
    token_weight = jnp.ones((1,), dtype=jnp.float32)
    mask_weight = jnp.ones((1,), dtype=jnp.float32)
    position_weight = jnp.ones((1,), dtype=jnp.float32)
    return {
        "token_embeds": token_embeds,
        "mask_embeds": mask_embeds,
        "position_embeds": position_embeds,
        "mask_inds": mask_inds,
        "token_weight": token_weight,
        "mask_weight": mask_weight,
        "position_weight": position_weight,
    }

def reference(token_embeds, mask_embeds, position_embeds, mask_inds,
              token_weight, mask_weight, position_weight):
    # mix_strategy != 'no' and != 'concat', position_embeds is not None branch:
    # output = tw * token + pw * pos; output[mask] += mw * mask_embeds
    output_embeds = token_weight * token_embeds + position_weight * position_embeds
    add = output_embeds + mask_weight * mask_embeds  # broadcast (D,) over (B,S,D)
    output_embeds = jnp.where(mask_inds[..., None], add, output_embeds)
    return output_embeds

if __name__ == "__main__":
    import jax
    _d = setup_inputs()
    print(jax.jit(kernel)(*tuple(_d.values())))

</pallas_src>

<mosaic_0001>
#map = affine_map<(d0, d1) -> (0)>
module attributes {stable_mosaic.version = 14 : i64} {
  func.func @k(%arg0: i32, %arg1: i32, %arg2: memref<2097152xf32, #tpu.memory_space<hbm>>, %arg3: memref<2097152xf32, #tpu.memory_space<hbm>>, %arg4: memref<16384xf32, #tpu.memory_space<hbm>>, %arg5: memref<2048xf32, #tpu.memory_space<hbm>>, %arg6: memref<16xf32, #tpu.memory_space<hbm>>, %arg7: memref<16xf32, #tpu.memory_space<hbm>>, %arg8: memref<16xf32, #tpu.memory_space<hbm>>, %arg9: memref<2097152xf32, #tpu.memory_space<hbm>>, %arg10: memref<32768xf32, #tpu.memory_space<vmem>>, %arg11: memref<32768xf32, #tpu.memory_space<vmem>>, %arg12: memref<512xf32, #tpu.memory_space<vmem>>, %arg13: memref<2048xf32, #tpu.memory_space<vmem>>, %arg14: memref<2048xf32, #tpu.memory_space<vmem>>, %arg15: memref<16xf32, #tpu.memory_space<vmem>>, %arg16: memref<16xf32, #tpu.memory_space<vmem>>, %arg17: memref<16xf32, #tpu.memory_space<vmem>>) attributes {dimension_semantics = [#tpu.dimension_semantics<core_parallel>, #tpu.dimension_semantics<subcore_parallel>], iteration_bounds = array<i64: 2, 16>, scalar_prefetch = 0 : i64, scratch_operands = 8 : i64, tpu.core_type = #tpu.core_type<sc_vector_subcore>, window_params = [{transform_indices = #map}, {transform_indices = #map}, {transform_indices = #map}, {transform_indices = #map}, {transform_indices = #map}, {transform_indices = #map}, {transform_indices = #map}, {transform_indices = #map}]} {
    %mul3A = arith.constant 2 : i32
    %mul3A_0 = arith.muli %arg1, %mul3A : i32
    %add3A = arith.addi %mul3A_0, %arg0 : i32
    %mul3A_1 = arith.constant 32 : i32
    %mul3A_2 = arith.muli %add3A, %mul3A_1 : i32
    "tpu.region"() ({
      %run_scoped3A = tpu.sem_alloc : memref<!tpu.dma_semaphore, #tpu.memory_space<semaphore_mem>>
      tpu.enqueue_dma source(%arg6 : memref<16xf32, #tpu.memory_space<hbm>>) target(%arg15 : memref<16xf32, #tpu.memory_space<vmem>>) target_semaphore(%run_scoped3A : memref<!tpu.dma_semaphore, #tpu.memory_space<semaphore_mem>>)
      tpu.wait_dma2 semaphore(%run_scoped3A : memref<!tpu.dma_semaphore, #tpu.memory_space<semaphore_mem>>) src(%arg6 : memref<16xf32, #tpu.memory_space<hbm>>) dst(%arg15 : memref<16xf32, #tpu.memory_space<vmem>>)
      tpu.yield
    }) : () -> ()
    "tpu.region"() ({
      %run_scoped3A = tpu.sem_alloc : memref<!tpu.dma_semaphore, #tpu.memory_space<semaphore_mem>>
      tpu.enqueue_dma source(%arg7 : memref<16xf32, #tpu.memory_space<hbm>>) target(%arg16 : memref<16xf32, #tpu.memory_space<vmem>>) target_semaphore(%run_scoped3A : memref<!tpu.dma_semaphore, #tpu.memory_space<semaphore_mem>>)
      tpu.wait_dma2 semaphore(%run_scoped3A : memref<!tpu.dma_semaphore, #tpu.memory_space<semaphore_mem>>) src(%arg7 : memref<16xf32, #tpu.memory_space<hbm>>) dst(%arg16 : memref<16xf32, #tpu.memory_space<vmem>>)
      tpu.yield
    }) : () -> ()
    "tpu.region"() ({
      %run_scoped3A = tpu.sem_alloc : memref<!tpu.dma_semaphore, #tpu.memory_space<semaphore_mem>>
      tpu.enqueue_dma source(%arg8 : memref<16xf32, #tpu.memory_space<hbm>>) target(%arg17 : memref<16xf32, #tpu.memory_space<vmem>>) target_semaphore(%run_scoped3A : memref<!tpu.dma_semaphore, #tpu.memory_space<semaphore_mem>>)
      tpu.wait_dma2 semaphore(%run_scoped3A : memref<!tpu.dma_semaphore, #tpu.memory_space<semaphore_mem>>) src(%arg8 : memref<16xf32, #tpu.memory_space<hbm>>) dst(%arg17 : memref<16xf32, #tpu.memory_space<vmem>>)
      tpu.yield
    }) : () -> ()
    "tpu.region"() ({
      %run_scoped3A = tpu.sem_alloc : memref<!tpu.dma_semaphore, #tpu.memory_space<semaphore_mem>>
      tpu.enqueue_dma source(%arg5 : memref<2048xf32, #tpu.memory_space<hbm>>) target(%arg13 : memref<2048xf32, #tpu.memory_space<vmem>>) target_semaphore(%run_scoped3A : memref<!tpu.dma_semaphore, #tpu.memory_space<semaphore_mem>>)
      tpu.wait_dma2 semaphore(%run_scoped3A : memref<!tpu.dma_semaphore, #tpu.memory_space<semaphore_mem>>) src(%arg5 : memref<2048xf32, #tpu.memory_space<hbm>>) dst(%arg13 : memref<2048xf32, #tpu.memory_space<vmem>>)
      tpu.yield
    }) : () -> ()
    %mul3A_3 = arith.constant 16 : i32
    %mul3A_4 = arith.muli %mul3A_2, %mul3A_3 : i32
    "tpu.region"() ({
      %run_scoped3A = tpu.sem_alloc : memref<!tpu.dma_semaphore, #tpu.memory_space<semaphore_mem>>
      %dma_start3A = tpu.memref_slice %arg4[%mul3A_4] : memref<16384xf32, #tpu.memory_space<hbm>> -> memref<512xf32, #tpu.memory_space<hbm>>
      %dma_start3A_24 = tpu.memref_slice %arg4[%mul3A_4] : memref<16384xf32, #tpu.memory_space<hbm>> -> memref<512xf32, #tpu.memory_space<hbm>>
      tpu.enqueue_dma source(%dma_start3A_24 : memref<512xf32, #tpu.memory_space<hbm>>) target(%arg12 : memref<512xf32, #tpu.memory_space<vmem>>) target_semaphore(%run_scoped3A : memref<!tpu.dma_semaphore, #tpu.memory_space<semaphore_mem>>)
      %dma_wait3A = tpu.memref_slice %arg4[%mul3A_4] : memref<16384xf32, #tpu.memory_space<hbm>> -> memref<512xf32, #tpu.memory_space<hbm>>
      %dma_wait3A_25 = tpu.memref_slice %arg4[%mul3A_4] : memref<16384xf32, #tpu.memory_space<hbm>> -> memref<512xf32, #tpu.memory_space<hbm>>
      tpu.wait_dma2 semaphore(%run_scoped3A : memref<!tpu.dma_semaphore, #tpu.memory_space<semaphore_mem>>) src(%dma_wait3A_25 : memref<512xf32, #tpu.memory_space<hbm>>) dst(%arg12 : memref<512xf32, #tpu.memory_space<vmem>>)
      tpu.yield
    }) : () -> ()
    %get3A = arith.constant 0 : index
    %get3A_5 = tpu.vector_load %arg15[%get3A] {strides = array<i32>} : memref<16xf32, #tpu.memory_space<vmem>>, vector<16xf32>,
    %get3A_6 = vector.shape_cast %get3A_5 : vector<16xf32> to vector<16xf32>
    %get3A_7 = arith.constant 0 : index
    %get3A_8 = tpu.vector_load %arg16[%get3A_7] {strides = array<i32>} : memref<16xf32, #tpu.memory_space<vmem>>, vector<16xf32>,
    %get3A_9 = vector.shape_cast %get3A_8 : vector<16xf32> to vector<16xf32>
    %get3A_10 = arith.constant 0 : index
    %get3A_11 = tpu.vector_load %arg17[%get3A_10] {strides = array<i32>} : memref<16xf32, #tpu.memory_space<vmem>>, vector<16xf32>,
    %get3A_12 = vector.shape_cast %get3A_11 : vector<16xf32> to vector<16xf32>
    %scan3A = arith.constant 0 : i32
    %scan3A_13 = arith.constant 0 : i32
    %scan3A_14 = arith.constant 128 : i32
    %scan3A_15 = arith.addi %scan3A_13, %scan3A_14 : i32
    %scan3A_16 = arith.constant 1 : i32
    scf.for %scan3A_24 = %scan3A_13 to %scan3A_15 step %scan3A_16  : i32 {
      %mul3A_25 = arith.constant 16 : i32
      %mul3A_26 = arith.muli %scan3A_24, %mul3A_25 : i32
      %get3A_27 = arith.index_cast %mul3A_26 : i32 to index
      %get3A_28 = tpu.vector_load %arg13[%get3A_27] {strides = array<i32>} : memref<2048xf32, #tpu.memory_space<vmem>>, vector<16xf32>,
      %get3A_29 = vector.shape_cast %get3A_28 : vector<16xf32> to vector<16xf32>
      %mul3A_30 = arith.mulf %get3A_12, %get3A_29 : vector<16xf32>
      %swap3A = arith.index_cast %mul3A_26 : i32 to index
      %swap3A_31 = tpu.vector_load %arg14[%swap3A] {strides = array<i32>} : memref<2048xf32, #tpu.memory_space<vmem>>, vector<16xf32>,
      %swap3A_32 = vector.shape_cast %swap3A_31 : vector<16xf32> to vector<16xf32>
      %swap3A_33 = vector.shape_cast %mul3A_30 : vector<16xf32> to vector<16xf32>
      tpu.vector_store %arg14[%swap3A], %swap3A_33 {strides = array<i32>} : memref<2048xf32, #tpu.memory_space<vmem>>, vector<16xf32>,
    }
    %scan3A_17 = arith.constant 128 : i32
    %scan3A_18 = arith.constant 0 : i32
    %scan3A_19 = arith.constant 0 : i32
    %scan3A_20 = arith.constant 2 : i32
    %scan3A_21 = arith.addi %scan3A_19, %scan3A_20 : i32
    %scan3A_22 = arith.constant 1 : i32
    scf.for %scan3A_24 = %scan3A_19 to %scan3A_21 step %scan3A_22  : i32 {
      %mul3A_25 = arith.constant 16 : i32
      %mul3A_26 = arith.muli %scan3A_24, %mul3A_25 : i32
      %add3A_27 = arith.addi %mul3A_2, %mul3A_26 : i32
      %mul3A_28 = arith.constant 2048 : i32
      %mul3A_29 = arith.muli %add3A_27, %mul3A_28 : i32
      %mul3A_30 = arith.constant 16 : i32
      %mul3A_31 = arith.muli %scan3A_24, %mul3A_30 : i32
      %add3A_32 = arith.addi %mul3A_2, %mul3A_31 : i32
      %mul3A_33 = arith.constant 2048 : i32
      %mul3A_34 = arith.muli %add3A_32, %mul3A_33 : i32
      "tpu.region"() ({
        %run_scoped3A = tpu.sem_alloc : memref<!tpu.dma_semaphore, #tpu.memory_space<semaphore_mem>>
        %dma_start3A = tpu.memref_slice %arg2[%mul3A_29] : memref<2097152xf32, #tpu.memory_space<hbm>> -> memref<32768xf32, #tpu.memory_space<hbm>>
        %dma_start3A_41 = tpu.memref_slice %arg2[%mul3A_29] : memref<2097152xf32, #tpu.memory_space<hbm>> -> memref<32768xf32, #tpu.memory_space<hbm>>
        tpu.enqueue_dma source(%dma_start3A_41 : memref<32768xf32, #tpu.memory_space<hbm>>) target(%arg10 : memref<32768xf32, #tpu.memory_space<vmem>>) target_semaphore(%run_scoped3A : memref<!tpu.dma_semaphore, #tpu.memory_space<semaphore_mem>>)
        %dma_wait3A = tpu.memref_slice %arg2[%mul3A_29] : memref<2097152xf32, #tpu.memory_space<hbm>> -> memref<32768xf32, #tpu.memory_space<hbm>>
        %dma_wait3A_42 = tpu.memref_slice %arg2[%mul3A_29] : memref<2097152xf32, #tpu.memory_space<hbm>> -> memref<32768xf32, #tpu.memory_space<hbm>>
        tpu.wait_dma2 semaphore(%run_scoped3A : memref<!tpu.dma_semaphore, #tpu.memory_space<semaphore_mem>>) src(%dma_wait3A_42 : memref<32768xf32, #tpu.memory_space<hbm>>) dst(%arg10 : memref<32768xf32, #tpu.memory_space<vmem>>)
        tpu.yield
      }) : () -> ()
      "tpu.region"() ({
        %run_scoped3A = tpu.sem_alloc : memref<!tpu.dma_semaphore, #tpu.memory_space<semaphore_mem>>
        %dma_start3A = tpu.memref_slice %arg3[%mul3A_29] : memref<2097152xf32, #tpu.memory_space<hbm>> -> memref<32768xf32, #tpu.memory_space<hbm>>
        %dma_start3A_41 = tpu.memref_slice %arg3[%mul3A_29] : memref<2097152xf32, #tpu.memory_space<hbm>> -> memref<32768xf32, #tpu.memory_space<hbm>>
        tpu.enqueue_dma source(%dma_start3A_41 : memref<32768xf32, #tpu.memory_space<hbm>>) target(%arg11 : memref<32768xf32, #tpu.memory_space<vmem>>) target_semaphore(%run_scoped3A : memref<!tpu.dma_semaphore, #tpu.memory_space<semaphore_mem>>)
        %dma_wait3A = tpu.memref_slice %arg3[%mul3A_29] : memref<2097152xf32, #tpu.memory_space<hbm>> -> memref<32768xf32, #tpu.memory_space<hbm>>
        %dma_wait3A_42 = tpu.memref_slice %arg3[%mul3A_29] : memref<2097152xf32, #tpu.memory_space<hbm>> -> memref<32768xf32, #tpu.memory_space<hbm>>
        tpu.wait_dma2 semaphore(%run_scoped3A : memref<!tpu.dma_semaphore, #tpu.memory_space<semaphore_mem>>) src(%dma_wait3A_42 : memref<32768xf32, #tpu.memory_space<hbm>>) dst(%arg11 : memref<32768xf32, #tpu.memory_space<vmem>>)
        tpu.yield
      }) : () -> ()
      %scan3A_35 = arith.constant 0 : i32
      %scan3A_36 = arith.constant 0 : i32
      %scan3A_37 = arith.constant 16 : i32
      %scan3A_38 = arith.addi %scan3A_36, %scan3A_37 : i32
      %scan3A_39 = arith.constant 1 : i32
      scf.for %scan3A_41 = %scan3A_36 to %scan3A_38 step %scan3A_39  : i32 {
        %mul3A_42 = arith.constant 16 : i32
        %mul3A_43 = arith.muli %scan3A_24, %mul3A_42 : i32
        %add3A_44 = arith.addi %mul3A_43, %scan3A_41 : i32
        %mul3A_45 = arith.constant 16 : i32
        %mul3A_46 = arith.muli %add3A_44, %mul3A_45 : i32
        %get3A_47 = arith.index_cast %mul3A_46 : i32 to index
        %get3A_48 = tpu.vector_load %arg12[%get3A_47] {strides = array<i32>} : memref<512xf32, #tpu.memory_space<vmem>>, vector<16xf32>,
        %get3A_49 = vector.shape_cast %get3A_48 : vector<16xf32> to vector<16xf32>
        %scan3A_50 = arith.constant 0 : i32
        %scan3A_51 = arith.constant 0 : i32
        %scan3A_52 = arith.constant 128 : i32
        %scan3A_53 = arith.addi %scan3A_51, %scan3A_52 : i32
        %scan3A_54 = arith.constant 1 : i32
        scf.for %scan3A_56 = %scan3A_51 to %scan3A_53 step %scan3A_54  : i32 {
          %mul3A_57 = arith.constant 2048 : i32
          %mul3A_58 = arith.muli %scan3A_41, %mul3A_57 : i32
          %mul3A_59 = arith.constant 16 : i32
          %mul3A_60 = arith.muli %scan3A_56, %mul3A_59 : i32
          %add3A_61 = arith.addi %mul3A_58, %mul3A_60 : i32
          %mul3A_62 = arith.constant 16 : i32
          %mul3A_63 = arith.muli %scan3A_56, %mul3A_62 : i32
          %get3A_64 = arith.index_cast %add3A_61 : i32 to index
          %get3A_65 = tpu.vector_load %arg10[%get3A_64] {strides = array<i32>} : memref<32768xf32, #tpu.memory_space<vmem>>, vector<16xf32>,
          %get3A_66 = vector.shape_cast %get3A_65 : vector<16xf32> to vector<16xf32>
          %mul3A_67 = arith.mulf %get3A_6, %get3A_66 : vector<16xf32>
          %get3A_68 = arith.index_cast %add3A_61 : i32 to index
          %get3A_69 = tpu.vector_load %arg11[%get3A_68] {strides = array<i32>} : memref<32768xf32, #tpu.memory_space<vmem>>, vector<16xf32>,
          %get3A_70 = vector.shape_cast %get3A_69 : vector<16xf32> to vector<16xf32>
          %mul3A_71 = arith.mulf %get3A_9, %get3A_70 : vector<16xf32>
          %add3A_72 = arith.addf %mul3A_67, %mul3A_71 : vector<16xf32>
          %get3A_73 = arith.index_cast %mul3A_63 : i32 to index
          %get3A_74 = tpu.vector_load %arg14[%get3A_73] {strides = array<i32>} : memref<2048xf32, #tpu.memory_space<vmem>>, vector<16xf32>,
          %get3A_75 = vector.shape_cast %get3A_74 : vector<16xf32> to vector<16xf32>
          %mul3A_76 = arith.mulf %get3A_49, %get3A_75 : vector<16xf32>
          %add3A_77 = arith.addf %add3A_72, %mul3A_76 : vector<16xf32>
          %swap3A = arith.index_cast %add3A_61 : i32 to index
          %swap3A_78 = tpu.vector_load %arg10[%swap3A] {strides = array<i32>} : memref<32768xf32, #tpu.memory_space<vmem>>, vector<16xf32>,
          %swap3A_79 = vector.shape_cast %swap3A_78 : vector<16xf32> to vector<16xf32>
          %swap3A_80 = vector.shape_cast %add3A_77 : vector<16xf32> to vector<16xf32>
          tpu.vector_store %arg10[%swap3A], %swap3A_80 {strides = array<i32>} : memref<32768xf32, #tpu.memory_space<vmem>>, vector<16xf32>,
        }
        %scan3A_55 = arith.constant 128 : i32
      }
      %scan3A_40 = arith.constant 16 : i32
      "tpu.region"() ({
        %run_scoped3A = tpu.sem_alloc : memref<!tpu.dma_semaphore, #tpu.memory_space<semaphore_mem>>
        %dma_start3A = tpu.memref_slice %arg9[%mul3A_34] : memref<2097152xf32, #tpu.memory_space<hbm>> -> memref<32768xf32, #tpu.memory_space<hbm>>
        %dma_start3A_41 = tpu.memref_slice %arg9[%mul3A_34] : memref<2097152xf32, #tpu.memory_space<hbm>> -> memref<32768xf32, #tpu.memory_space<hbm>>
        tpu.enqueue_dma source(%arg10 : memref<32768xf32, #tpu.memory_space<vmem>>) target(%dma_start3A_41 : memref<32768xf32, #tpu.memory_space<hbm>>) target_semaphore(%run_scoped3A : memref<!tpu.dma_semaphore, #tpu.memory_space<semaphore_mem>>)
        %dma_wait3A = tpu.memref_slice %arg9[%mul3A_34] : memref<2097152xf32, #tpu.memory_space<hbm>> -> memref<32768xf32, #tpu.memory_space<hbm>>
        %dma_wait3A_42 = tpu.memref_slice %arg9[%mul3A_34] : memref<2097152xf32, #tpu.memory_space<hbm>> -> memref<32768xf32, #tpu.memory_space<hbm>>
        tpu.wait_dma2 semaphore(%run_scoped3A : memref<!tpu.dma_semaphore, #tpu.memory_space<semaphore_mem>>) src(%arg10 : memref<32768xf32, #tpu.memory_space<vmem>>) dst(%dma_wait3A_42 : memref<32768xf32, #tpu.memory_space<hbm>>)
        tpu.yield
      }) : () -> ()
    }
    %scan3A_23 = arith.constant 2 : i32
    return
  }
}

module attributes {stable_mosaic.version = 14 : i64} {
  func.func @body(%arg0: memref<16384x2048xf32, #tpu.memory_space<hbm>>, %arg1: memref<16384x2048xf32, #tpu.memory_space<hbm>>, %arg2: memref<60x1x256xi32, #tpu.memory_space<vmem>>, %arg3: memref<1x2048xf32, #tpu.memory_space<vmem>>, %arg4: memref<1xf32, #tpu.memory_space<smem>>, %arg5: memref<1xf32, #tpu.memory_space<smem>>, %arg6: memref<1xf32, #tpu.memory_space<smem>>, %arg7: memref<16384x2048xf32, #tpu.memory_space<hbm>>, %arg8: memref<4x256x2048xf32, #tpu.memory_space<vmem>>, %arg9: memref<4x256x2048xf32, #tpu.memory_space<vmem>>, %arg10: memref<4x256x2048xf32, #tpu.memory_space<vmem>>, %arg11: memref<4x3x!tpu.dma_semaphore, #tpu.memory_space<semaphore_mem>>) attributes {dimension_semantics = [], scalar_prefetch = 0 : i64, scratch_operands = 4 : i64, tpu.core_type = #tpu.core_type<tc>} {
    %get3A = arith.constant 0 : index
    %get3A_0 = memref.load %arg4[%get3A] : memref<1xf32, #tpu.memory_space<smem>>
    %get3A_1 = arith.constant 0 : index
    %get3A_2 = memref.load %arg5[%get3A_1] : memref<1xf32, #tpu.memory_space<smem>>
    %get3A_3 = arith.constant 0 : index
    %get3A_4 = memref.load %arg6[%get3A_3] : memref<1xf32, #tpu.memory_space<smem>>
    %get3A_5 = arith.constant 0 : index
    %get3A_6 = arith.constant 0 : index
    %get3A_7 = vector.load %arg3[%get3A_5, %get3A_6] : memref<1x2048xf32, #tpu.memory_space<vmem>>, vector<1x2048xf32>
    %get3A_8 = vector.shape_cast %get3A_7 : vector<1x2048xf32> to vector<2048xf32>
    %mul3A = vector.broadcast %get3A_4 : f32 to vector<2048xf32>
    %mul3A_9 = arith.mulf %mul3A, %get3A_8 : vector<2048xf32>
    %dma_start3A = arith.constant 0 : i32
    %dma_start3A_10 = arith.constant 0 : i32
    %dma_start3A_11 = arith.constant 0 : i32
    %dma_start3A_12 = tpu.memref_slice %arg11[%dma_start3A_10, %dma_start3A_11] : memref<4x3x!tpu.dma_semaphore, #tpu.memory_space<semaphore_mem>> -> memref<1x1x!tpu.dma_semaphore, #tpu.memory_space<semaphore_mem>>
    %dma_start3A_13 = tpu.memref_squeeze %dma_start3A_12 : memref<1x1x!tpu.dma_semaphore, #tpu.memory_space<semaphore_mem>> -> memref<!tpu.dma_semaphore, #tpu.memory_space<semaphore_mem>>
    %dma_start3A_14 = arith.constant 0 : i32
    %dma_start3A_15 = arith.constant 0 : i32
    %dma_start3A_16 = tpu.memref_slice %arg8[%dma_start3A, %dma_start3A_14, %dma_start3A_15] : memref<4x256x2048xf32, #tpu.memory_space<vmem>> -> memref<1x256x2048xf32, #tpu.memory_space<vmem>>
    %dma_start3A_17 = tpu.memref_squeeze %dma_start3A_16 : memref<1x256x2048xf32, #tpu.memory_space<vmem>> -> memref<256x2048xf32, #tpu.memory_space<vmem>>
    %dma_start3A_18 = arith.constant 0 : i32
    %dma_start3A_19 = arith.constant 0 : i32
    %dma_start3A_20 = tpu.memref_slice %arg0[%dma_start3A_18, %dma_start3A_19] : memref<16384x2048xf32, #tpu.memory_space<hbm>> -> memref<256x2048xf32, #tpu.memory_space<hbm>>
    tpu.enqueue_dma source(%dma_start3A_20 : memref<256x2048xf32, #tpu.memory_space<hbm>>) target(%dma_start3A_17 : memref<256x2048xf32, #tpu.memory_space<vmem>>) target_semaphore(%dma_start3A_13 : memref<!tpu.dma_semaphore, #tpu.memory_space<semaphore_mem>>)
    %dma_start3A_21 = arith.constant 0 : i32
    %dma_start3A_22 = arith.constant 0 : i32
    %dma_start3A_23 = arith.constant 1 : i32
    %dma_start3A_24 = tpu.memref_slice %arg11[%dma_start3A_22, %dma_start3A_23] : memref<4x3x!tpu.dma_semaphore, #tpu.memory_space<semaphore_mem>> -> memref<1x1x!tpu.dma_semaphore, #tpu.memory_space<semaphore_mem>>
    %dma_start3A_25 = tpu.memref_squeeze %dma_start3A_24 : memref<1x1x!tpu.dma_semaphore, #tpu.memory_space<semaphore_mem>> -> memref<!tpu.dma_semaphore, #tpu.memory_space<semaphore_mem>>
    %dma_start3A_26 = arith.constant 0 : i32
    %dma_start3A_27 = arith.constant 0 : i32
    %dma_start3A_28 = tpu.memref_slice %arg9[%dma_start3A_21, %dma_start3A_26, %dma_start3A_27] : memref<4x256x2048xf32, #tpu.memory_space<vmem>> -> memref<1x256x2048xf32, #tpu.memory_space<vmem>>
    %dma_start3A_29 = tpu.memref_squeeze %dma_start3A_28 : memref<1x256x2048xf32, #tpu.memory_space<vmem>> -> memref<256x2048xf32, #tpu.memory_space<vmem>>
    %dma_start3A_30 = arith.constant 0 : i32
    %dma_start3A_31 = arith.constant 0 : i32
    %dma_start3A_32 = tpu.memref_slice %arg1[%dma_start3A_30, %dma_start3A_31] : memref<16384x2048xf32, #tpu.memory_space<hbm>> -> memref<256x2048xf32, #tpu.memory_space<hbm>>
    tpu.enqueue_dma source(%dma_start3A_32 : memref<256x2048xf32, #tpu.memory_space<hbm>>) target(%dma_start3A_29 : memref<256x2048xf32, #tpu.memory_space<vmem>>) target_semaphore(%dma_start3A_25 : memref<!tpu.dma_semaphore, #tpu.memory_space<semaphore_mem>>)
    %dma_start3A_33 = arith.constant 1 : i32
    %dma_start3A_34 = arith.constant 1 : i32
    %dma_start3A_35 = arith.constant 0 : i32
    %dma_start3A_36 = tpu.memref_slice %arg11[%dma_start3A_34, %dma_start3A_35] : memref<4x3x!tpu.dma_semaphore, #tpu.memory_space<semaphore_mem>> -> memref<1x1x!tpu.dma_semaphore, #tpu.memory_space<semaphore_mem>>
    %dma_start3A_37 = tpu.memref_squeeze %dma_start3A_36 : memref<1x1x!tpu.dma_semaphore, #tpu.memory_space<semaphore_mem>> -> memref<!tpu.dma_semaphore, #tpu.memory_space<semaphore_mem>>
    %dma_start3A_38 = arith.constant 0 : i32
    %dma_start3A_39 = arith.constant 0 : i32
    %dma_start3A_40 = tpu.memref_slice %arg8[%dma_start3A_33, %dma_start3A_38, %dma_start3A_39] : memref<4x256x2048xf32, #tpu.memory_space<vmem>> -> memref<1x256x2048xf32, #tpu.memory_space<vmem>>
    %dma_start3A_41 = tpu.memref_squeeze %dma_start3A_40 : memref<1x256x2048xf32, #tpu.memory_space<vmem>> -> memref<256x2048xf32, #tpu.memory_space<vmem>>
    %dma_start3A_42 = arith.constant 256 : i32
    %dma_start3A_43 = arith.constant 0 : i32
    %dma_start3A_44 = tpu.memref_slice %arg0[%dma_start3A_42, %dma_start3A_43] : memref<16384x2048xf32, #tpu.memory_space<hbm>> -> memref<256x2048xf32, #tpu.memory_space<hbm>>
    tpu.enqueue_dma source(%dma_start3A_44 : memref<256x2048xf32, #tpu.memory_space<hbm>>) target(%dma_start3A_41 : memref<256x2048xf32, #tpu.memory_space<vmem>>) target_semaphore(%dma_start3A_37 : memref<!tpu.dma_semaphore, #tpu.memory_space<semaphore_mem>>)
    %dma_start3A_45 = arith.constant 1 : i32
    %dma_start3A_46 = arith.constant 1 : i32
    %dma_start3A_47 = arith.constant 1 : i32
    %dma_start3A_48 = tpu.memref_slice %arg11[%dma_start3A_46, %dma_start3A_47] : memref<4x3x!tpu.dma_semaphore, #tpu.memory_space<semaphore_mem>> -> memref<1x1x!tpu.dma_semaphore, #tpu.memory_space<semaphore_mem>>
    %dma_start3A_49 = tpu.memref_squeeze %dma_start3A_48 : memref<1x1x!tpu.dma_semaphore, #tpu.memory_space<semaphore_mem>> -> memref<!tpu.dma_semaphore, #tpu.memory_space<semaphore_mem>>
    %dma_start3A_50 = arith.constant 0 : i32
    %dma_start3A_51 = arith.constant 0 : i32
    %dma_start3A_52 = tpu.memref_slice %arg9[%dma_start3A_45, %dma_start3A_50, %dma_start3A_51] : memref<4x256x2048xf32, #tpu.memory_space<vmem>> -> memref<1x256x2048xf32, #tpu.memory_space<vmem>>
    %dma_start3A_53 = tpu.memref_squeeze %dma_start3A_52 : memref<1x256x2048xf32, #tpu.memory_space<vmem>> -> memref<256x2048xf32, #tpu.memory_space<vmem>>
    %dma_start3A_54 = arith.constant 256 : i32
    %dma_start3A_55 = arith.constant 0 : i32
    %dma_start3A_56 = tpu.memref_slice %arg1[%dma_start3A_54, %dma_start3A_55] : memref<16384x2048xf32, #tpu.memory_space<hbm>> -> memref<256x2048xf32, #tpu.memory_space<hbm>>
    tpu.enqueue_dma source(%dma_start3A_56 : memref<256x2048xf32, #tpu.memory_space<hbm>>) target(%dma_start3A_53 : memref<256x2048xf32, #tpu.memory_space<vmem>>) target_semaphore(%dma_start3A_49 : memref<!tpu.dma_semaphore, #tpu.memory_space<semaphore_mem>>)
    %dma_start3A_57 = arith.constant 2 : i32
    %dma_start3A_58 = arith.constant 2 : i32
    %dma_start3A_59 = arith.constant 0 : i32
    %dma_start3A_60 = tpu.memref_slice %arg11[%dma_start3A_58, %dma_start3A_59] : memref<4x3x!tpu.dma_semaphore, #tpu.memory_space<semaphore_mem>> -> memref<1x1x!tpu.dma_semaphore, #tpu.memory_space<semaphore_mem>>
    %dma_start3A_61 = tpu.memref_squeeze %dma_start3A_60 : memref<1x1x!tpu.dma_semaphore, #tpu.memory_space<semaphore_mem>> -> memref<!tpu.dma_semaphore, #tpu.memory_space<semaphore_mem>>
    %dma_start3A_62 = arith.constant 0 : i32
    %dma_start3A_63 = arith.constant 0 : i32
    %dma_start3A_64 = tpu.memref_slice %arg8[%dma_start3A_57, %dma_start3A_62, %dma_start3A_63] : memref<4x256x2048xf32, #tpu.memory_space<vmem>> -> memref<1x256x2048xf32, #tpu.memory_space<vmem>>
    %dma_start3A_65 = tpu.memref_squeeze %dma_start3A_64 : memref<1x256x2048xf32, #tpu.memory_space<vmem>> -> memref<256x2048xf32, #tpu.memory_space<vmem>>
    %dma_start3A_66 = arith.constant 512 : i32
    %dma_start3A_67 = arith.constant 0 : i32
    %dma_start3A_68 = tpu.memref_slice %arg0[%dma_start3A_66, %dma_start3A_67] : memref<16384x2048xf32, #tpu.memory_space<hbm>> -> memref<256x2048xf32, #tpu.memory_space<hbm>>
    tpu.enqueue_dma source(%dma_start3A_68 : memref<256x2048xf32, #tpu.memory_space<hbm>>) target(%dma_start3A_65 : memref<256x2048xf32, #tpu.memory_space<vmem>>) target_semaphore(%dma_start3A_61 : memref<!tpu.dma_semaphore, #tpu.memory_space<semaphore_mem>>)
    %dma_start3A_69 = arith.constant 2 : i32
    %dma_start3A_70 = arith.constant 2 : i32
    %dma_start3A_71 = arith.constant 1 : i32
    %dma_start3A_72 = tpu.memref_slice %arg11[%dma_start3A_70, %dma_start3A_71] : memref<4x3x!tpu.dma_semaphore, #tpu.memory_space<semaphore_mem>> -> memref<1x1x!tpu.dma_semaphore, #tpu.memory_space<semaphore_mem>>
    %dma_start3A_73 = tpu.memref_squeeze %dma_start3A_72 : memref<1x1x!tpu.dma_semaphore, #tpu.memory_space<semaphore_mem>> -> memref<!tpu.dma_semaphore, #tpu.memory_space<semaphore_mem>>
    %dma_start3A_74 = arith.constant 0 : i32
    %dma_start3A_75 = arith.constant 0 : i32
    %dma_start3A_76 = tpu.memref_slice %arg9[%dma_start3A_69, %dma_start3A_74, %dma_start3A_75] : memref<4x256x2048xf32, #tpu.memory_space<vmem>> -> memref<1x256x2048xf32, #tpu.memory_space<vmem>>
    %dma_start3A_77 = tpu.memref_squeeze %dma_start3A_76 : memref<1x256x2048xf32, #tpu.memory_space<vmem>> -> memref<256x2048xf32, #tpu.memory_space<vmem>>
    %dma_start3A_78 = arith.constant 512 : i32
    %dma_start3A_79 = arith.constant 0 : i32
    %dma_start3A_80 = tpu.memref_slice %arg1[%dma_start3A_78, %dma_start3A_79] : memref<16384x2048xf32, #tpu.memory_space<hbm>> -> memref<256x2048xf32, #tpu.memory_space<hbm>>
    tpu.enqueue_dma source(%dma_start3A_80 : memref<256x2048xf32, #tpu.memory_space<hbm>>) target(%dma_start3A_77 : memref<256x2048xf32, #tpu.memory_space<vmem>>) target_semaphore(%dma_start3A_73 : memref<!tpu.dma_semaphore, #tpu.memory_space<semaphore_mem>>)
    %scan3A = arith.constant 0 : i32
    %scan3A_81 = arith.constant 60 : i32
    %scan3A_82 = arith.addi %scan3A, %scan3A_81 : i32
    %scan3A_83 = arith.constant 1 : i32
    scf.for %scan3A_132 = %scan3A to %scan3A_82 step %scan3A_83  : i32 {
      %rem3A = arith.constant 4 : i32
      %rem3A_133 = arith.remsi %scan3A_132, %rem3A : i32
      %mul3A_134 = arith.constant 256 : i32
      %mul3A_135 = arith.muli %scan3A_132, %mul3A_134 : i32
      %mul3A_136 = arith.constant 256 : i32
      %mul3A_137 = arith.muli %scan3A_132, %mul3A_136 : i32
      %dma_wait3A_138 = arith.constant 0 : i32
      %dma_wait3A_139 = tpu.memref_slice %arg11[%rem3A_133, %dma_wait3A_138] : memref<4x3x!tpu.dma_semaphore, #tpu.memory_space<semaphore_mem>> -> memref<1x1x!tpu.dma_semaphore, #tpu.memory_space<semaphore_mem>>
      %dma_wait3A_140 = tpu.memref_squeeze %dma_wait3A_139 : memref<1x1x!tpu.dma_semaphore, #tpu.memory_space<semaphore_mem>> -> memref<!tpu.dma_semaphore, #tpu.memory_space<semaphore_mem>>
      %dma_wait3A_141 = arith.constant 0 : i32
      %dma_wait3A_142 = arith.constant 0 : i32
      %dma_wait3A_143 = tpu.memref_slice %arg8[%rem3A_133, %dma_wait3A_141, %dma_wait3A_142] : memref<4x256x2048xf32, #tpu.memory_space<vmem>> -> memref<1x256x2048xf32, #tpu.memory_space<vmem>>
      %dma_wait3A_144 = tpu.memref_squeeze %dma_wait3A_143 : memref<1x256x2048xf32, #tpu.memory_space<vmem>> -> memref<256x2048xf32, #tpu.memory_space<vmem>>
      %dma_wait3A_145 = arith.constant 0 : i32
      %dma_wait3A_146 = tpu.memref_slice %arg0[%mul3A_135, %dma_wait3A_145] : memref<16384x2048xf32, #tpu.memory_space<hbm>> -> memref<256x2048xf32, #tpu.memory_space<hbm>>
      tpu.wait_dma2 semaphore(%dma_wait3A_140 : memref<!tpu.dma_semaphore, #tpu.memory_space<semaphore_mem>>) src(%dma_wait3A_146 : memref<256x2048xf32, #tpu.memory_space<hbm>>) dst(%dma_wait3A_144 : memref<256x2048xf32, #tpu.memory_space<vmem>>)
      %dma_wait3A_147 = arith.constant 1 : i32
      %dma_wait3A_148 = tpu.memref_slice %arg11[%rem3A_133, %dma_wait3A_147] : memref<4x3x!tpu.dma_semaphore, #tpu.memory_space<semaphore_mem>> -> memref<1x1x!tpu.dma_semaphore, #tpu.memory_space<semaphore_mem>>
      %dma_wait3A_149 = tpu.memref_squeeze %dma_wait3A_148 : memref<1x1x!tpu.dma_semaphore, #tpu.memory_space<semaphore_mem>> -> memref<!tpu.dma_semaphore, #tpu.memory_space<semaphore_mem>>
      %dma_wait3A_150 = arith.constant 0 : i32
      %dma_wait3A_151 = arith.constant 0 : i32
      %dma_wait3A_152 = tpu.memref_slice %arg9[%rem3A_133, %dma_wait3A_150, %dma_wait3A_151] : memref<4x256x2048xf32, #tpu.memory_space<vmem>> -> memref<1x256x2048xf32, #tpu.memory_space<vmem>>
      %dma_wait3A_153 = tpu.memref_squeeze %dma_wait3A_152 : memref<1x256x2048xf32, #tpu.memory_space<vmem>> -> memref<256x2048xf32, #tpu.memory_space<vmem>>
      %dma_wait3A_154 = arith.constant 0 : i32
      %dma_wait3A_155 = tpu.memref_slice %arg1[%mul3A_137, %dma_wait3A_154] : memref<16384x2048xf32, #tpu.memory_space<hbm>> -> memref<256x2048xf32, #tpu.memory_space<hbm>>
      tpu.wait_dma2 semaphore(%dma_wait3A_149 : memref<!tpu.dma_semaphore, #tpu.memory_space<semaphore_mem>>) src(%dma_wait3A_155 : memref<256x2048xf32, #tpu.memory_space<hbm>>) dst(%dma_wait3A_153 : memref<256x2048xf32, #tpu.memory_space<vmem>>)
      %ge3A = arith.constant 4 : i32
      %ge3A_156 = arith.cmpi sge, %scan3A_132, %ge3A : i32
      %convert_element_type3A = arith.extui %ge3A_156 : i1 to i32
      %cond3A = arith.constant 0 : i32
      %cond3A_157 = arith.cmpi ne, %convert_element_type3A, %cond3A : i32
      scf.if %cond3A_157 {
        %sub3A_210 = arith.constant 4 : i32
        %sub3A_211 = arith.subi %scan3A_132, %sub3A_210 : i32
        %mul3A_212 = arith.constant 256 : i32
        %mul3A_213 = arith.muli %sub3A_211, %mul3A_212 : i32
        %dma_wait3A_214 = arith.constant 2 : i32
        %dma_wait3A_215 = tpu.memref_slice %arg11[%rem3A_133, %dma_wait3A_214] : memref<4x3x!tpu.dma_semaphore, #tpu.memory_space<semaphore_mem>> -> memref<1x1x!tpu.dma_semaphore, #tpu.memory_space<semaphore_mem>>
        %dma_wait3A_216 = tpu.memref_squeeze %dma_wait3A_215 : memref<1x1x!tpu.dma_semaphore, #tpu.memory_space<semaphore_mem>> -> memref<!tpu.dma_semaphore, #tpu.memory_space<semaphore_mem>>
        %dma_wait3A_217 = arith.constant 0 : i32
        %dma_wait3A_218 = tpu.memref_slice %arg7[%mul3A_213, %dma_wait3A_217] : memref<16384x2048xf32, #tpu.memory_space<hbm>> -> memref<256x2048xf32, #tpu.memory_space<hbm>>
        %dma_wait3A_219 = arith.constant 0 : i32
        %dma_wait3A_220 = arith.constant 0 : i32
        %dma_wait3A_221 = tpu.memref_slice %arg10[%rem3A_133, %dma_wait3A_219, %dma_wait3A_220] : memref<4x256x2048xf32, #tpu.memory_space<vmem>> -> memref<1x256x2048xf32, #tpu.memory_space<vmem>>
        %dma_wait3A_222 = tpu.memref_squeeze %dma_wait3A_221 : memref<1x256x2048xf32, #tpu.memory_space<vmem>> -> memref<256x2048xf32, #tpu.memory_space<vmem>>
        tpu.wait_dma2 semaphore(%dma_wait3A_216 : memref<!tpu.dma_semaphore, #tpu.memory_space<semaphore_mem>>) src(%dma_wait3A_222 : memref<256x2048xf32, #tpu.memory_space<vmem>>) dst(%dma_wait3A_218 : memref<256x2048xf32, #tpu.memory_space<hbm>>)
      } else {
      }
      %get3A_158 = arith.index_cast %scan3A_132 : i32 to index
      %get3A_159 = arith.constant 0 : index
      %get3A_160 = arith.constant 0 : index
      %get3A_161 = vector.load %arg2[%get3A_158, %get3A_159, %get3A_160] : memref<60x1x256xi32, #tpu.memory_space<vmem>>, vector<1x1x256xi32>
      %get3A_162 = vector.shape_cast %get3A_161 : vector<1x1x256xi32> to vector<256xi32>
      %get3A_163 = arith.constant dense<0> : vector<256xi32>
      %get3A_164 = arith.cmpi ne, %get3A_162, %get3A_163 : vector<256xi32>
      %jit3A = arith.constant 1.000000e+00 : f32
      %jit3A_165 = arith.constant 0.000000e+00 : f32
      %broadcast_in_dim3A = vector.broadcast %jit3A : f32 to vector<256xf32>
      %broadcast_in_dim3A_166 = vector.broadcast %jit3A_165 : f32 to vector<256xf32>
      %select_n3A = arith.select %get3A_164, %broadcast_in_dim3A, %broadcast_in_dim3A_166 : vector<256xi1>, vector<256xf32>
      %broadcast_in_dim3A_167 = vector.shape_cast %select_n3A : vector<256xf32> to vector<256x1xf32>
      %get3A_168 = arith.index_cast %rem3A_133 : i32 to index
      %get3A_169 = arith.constant 0 : index
      %get3A_170 = arith.constant 0 : index
      %get3A_171 = vector.load %arg8[%get3A_168, %get3A_169, %get3A_170] : memref<4x256x2048xf32, #tpu.memory_space<vmem>>, vector<1x256x2048xf32>
      %get3A_172 = vector.shape_cast %get3A_171 : vector<1x256x2048xf32> to vector<256x2048xf32>
      %mul3A_173 = vector.broadcast %get3A_0 : f32 to vector<256x2048xf32>
      %mul3A_174 = arith.mulf %mul3A_173, %get3A_172 : vector<256x2048xf32>
      %get3A_175 = arith.index_cast %rem3A_133 : i32 to index
      %get3A_176 = arith.constant 0 : index
      %get3A_177 = arith.constant 0 : index
      %get3A_178 = vector.load %arg9[%get3A_175, %get3A_176, %get3A_177] : memref<4x256x2048xf32, #tpu.memory_space<vmem>>, vector<1x256x2048xf32>
      %get3A_179 = vector.shape_cast %get3A_178 : vector<1x256x2048xf32> to vector<256x2048xf32>
      %mul3A_180 = vector.broadcast %get3A_2 : f32 to vector<256x2048xf32>
      %mul3A_181 = arith.mulf %mul3A_180, %get3A_179 : vector<256x2048xf32>
      %add3A = arith.addf %mul3A_174, %mul3A_181 : vector<256x2048xf32>
      %broadcast_in_dim3A_182 = vector.shape_cast %mul3A_9 : vector<2048xf32> to vector<1x2048xf32>
      %mul3A_183 = vector.broadcast %broadcast_in_dim3A_167 : vector<256x1xf32> to vector<256x2048xf32>
      %mul3A_184 = vector.broadcast %broadcast_in_dim3A_182 : vector<1x2048xf32> to vector<256x2048xf32>
      %mul3A_185 = arith.mulf %mul3A_183, %mul3A_184 : vector<256x2048xf32>
      %add3A_186 = arith.addf %add3A, %mul3A_185 : vector<256x2048xf32>
      %swap3A = arith.index_cast %rem3A_133 : i32 to index
      %swap3A_187 = arith.constant 0 : index
      %swap3A_188 = arith.constant 0 : index
      %swap3A_189 = vector.load %arg10[%swap3A, %swap3A_187, %swap3A_188] : memref<4x256x2048xf32, #tpu.memory_space<vmem>>, vector<1x256x2048xf32>
      %swap3A_190 = vector.shape_cast %swap3A_189 : vector<1x256x2048xf32> to vector<256x2048xf32>
      %swap3A_191 = vector.shape_cast %add3A_186 : vector<256x2048xf32> to vector<1x256x2048xf32>
      tpu.vector_store %arg10[%swap3A, %swap3A_187, %swap3A_188], %swap3A_191 {strides = array<i32>} : memref<4x256x2048xf32, #tpu.memory_space<vmem>>, vector<1x256x2048xf32>,
      %mul3A_192 = arith.constant 256 : i32
      %mul3A_193 = arith.muli %scan3A_132, %mul3A_192 : i32
      %dma_start3A_194 = arith.constant 2 : i32
      %dma_start3A_195 = tpu.memref_slice %arg11[%rem3A_133, %dma_start3A_194] : memref<4x3x!tpu.dma_semaphore, #tpu.memory_space<semaphore_mem>> -> memref<1x1x!tpu.dma_semaphore, #tpu.memory_space<semaphore_mem>>
      %dma_start3A_196 = tpu.memref_squeeze %dma_start3A_195 : memref<1x1x!tpu.dma_semaphore, #tpu.memory_space<semaphore_mem>> -> memref<!tpu.dma_semaphore, #tpu.memory_space<semaphore_mem>>
      %dma_start3A_197 = arith.constant 0 : i32
      %dma_start3A_198 = tpu.memref_slice %arg7[%mul3A_193, %dma_start3A_197] : memref<16384x2048xf32, #tpu.memory_space<hbm>> -> memref<256x2048xf32, #tpu.memory_space<hbm>>
      %dma_start3A_199 = arith.constant 0 : i32
      %dma_start3A_200 = arith.constant 0 : i32
      %dma_start3A_201 = tpu.memref_slice %arg10[%rem3A_133, %dma_start3A_199, %dma_start3A_200] : memref<4x256x2048xf32, #tpu.memory_space<vmem>> -> memref<1x256x2048xf32, #tpu.memory_space<vmem>>
      %dma_start3A_202 = tpu.memref_squeeze %dma_start3A_201 : memref<1x256x2048xf32, #tpu.memory_space<vmem>> -> memref<256x2048xf32, #tpu.memory_space<vmem>>
      tpu.enqueue_dma source(%dma_start3A_202 : memref<256x2048xf32, #tpu.memory_space<vmem>>) target(%dma_start3A_198 : memref<256x2048xf32, #tpu.memory_space<hbm>>) target_semaphore(%dma_start3A_196 : memref<!tpu.dma_semaphore, #tpu.memory_space<semaphore_mem>>)
      %add3A_203 = arith.constant 4 : i32
      %add3A_204 = arith.addi %scan3A_132, %add3A_203 : i32
      %sub3A = arith.constant 1 : i32
      %sub3A_205 = arith.subi %add3A_204, %sub3A : i32
      %lt3A = arith.constant 60 : i32
      %lt3A_206 = arith.cmpi slt, %sub3A_205, %lt3A : i32
      %convert_element_type3A_207 = arith.extui %lt3A_206 : i1 to i32
      %cond3A_208 = arith.constant 0 : i32
      %cond3A_209 = arith.cmpi ne, %convert_element_type3A_207, %cond3A_208 : i32
      scf.if %cond3A_209 {
        %rem3A_210 = arith.constant 4 : i32
        %rem3A_211 = arith.remsi %sub3A_205, %rem3A_210 : i32
        %mul3A_212 = arith.constant 256 : i32
        %mul3A_213 = arith.muli %sub3A_205, %mul3A_212 : i32
        %mul3A_214 = arith.constant 256 : i32
        %mul3A_215 = arith.muli %sub3A_205, %mul3A_214 : i32
        %dma_start3A_216 = arith.constant 0 : i32
        %dma_start3A_217 = tpu.memref_slice %arg11[%rem3A_211, %dma_start3A_216] : memref<4x3x!tpu.dma_semaphore, #tpu.memory_space<semaphore_mem>> -> memref<1x1x!tpu.dma_semaphore, #tpu.memory_space<semaphore_mem>>
        %dma_start3A_218 = tpu.memref_squeeze %dma_start3A_217 : memref<1x1x!tpu.dma_semaphore, #tpu.memory_space<semaphore_mem>> -> memref<!tpu.dma_semaphore, #tpu.memory_space<semaphore_mem>>
        %dma_start3A_219 = arith.constant 0 : i32
        %dma_start3A_220 = arith.constant 0 : i32
        %dma_start3A_221 = tpu.memref_slice %arg8[%rem3A_211, %dma_start3A_219, %dma_start3A_220] : memref<4x256x2048xf32, #tpu.memory_space<vmem>> -> memref<1x256x2048xf32, #tpu.memory_space<vmem>>
        %dma_start3A_222 = tpu.memref_squeeze %dma_start3A_221 : memref<1x256x2048xf32, #tpu.memory_space<vmem>> -> memref<256x2048xf32, #tpu.memory_space<vmem>>
        %dma_start3A_223 = arith.constant 0 : i32
        %dma_start3A_224 = tpu.memref_slice %arg0[%mul3A_213, %dma_start3A_223] : memref<16384x2048xf32, #tpu.memory_space<hbm>> -> memref<256x2048xf32, #tpu.memory_space<hbm>>
        tpu.enqueue_dma source(%dma_start3A_224 : memref<256x2048xf32, #tpu.memory_space<hbm>>) target(%dma_start3A_222 : memref<256x2048xf32, #tpu.memory_space<vmem>>) target_semaphore(%dma_start3A_218 : memref<!tpu.dma_semaphore, #tpu.memory_space<semaphore_mem>>)
        %dma_start3A_225 = arith.constant 1 : i32
        %dma_start3A_226 = tpu.memref_slice %arg11[%rem3A_211, %dma_start3A_225] : memref<4x3x!tpu.dma_semaphore, #tpu.memory_space<semaphore_mem>> -> memref<1x1x!tpu.dma_semaphore, #tpu.memory_space<semaphore_mem>>
        %dma_start3A_227 = tpu.memref_squeeze %dma_start3A_226 : memref<1x1x!tpu.dma_semaphore, #tpu.memory_space<semaphore_mem>> -> memref<!tpu.dma_semaphore, #tpu.memory_space<semaphore_mem>>
        %dma_start3A_228 = arith.constant 0 : i32
        %dma_start3A_229 = arith.constant 0 : i32
        %dma_start3A_230 = tpu.memref_slice %arg9[%rem3A_211, %dma_start3A_228, %dma_start3A_229] : memref<4x256x2048xf32, #tpu.memory_space<vmem>> -> memref<1x256x2048xf32, #tpu.memory_space<vmem>>
        %dma_start3A_231 = tpu.memref_squeeze %dma_start3A_230 : memref<1x256x2048xf32, #tpu.memory_space<vmem>> -> memref<256x2048xf32, #tpu.memory_space<vmem>>
        %dma_start3A_232 = arith.constant 0 : i32
        %dma_start3A_233 = tpu.memref_slice %arg1[%mul3A_215, %dma_start3A_232] : memref<16384x2048xf32, #tpu.memory_space<hbm>> -> memref<256x2048xf32, #tpu.memory_space<hbm>>
        tpu.enqueue_dma source(%dma_start3A_233 : memref<256x2048xf32, #tpu.memory_space<hbm>>) target(%dma_start3A_231 : memref<256x2048xf32, #tpu.memory_space<vmem>>) target_semaphore(%dma_start3A_227 : memref<!tpu.dma_semaphore, #tpu.memory_space<semaphore_mem>>)
      } else {
      }
    }
    %scan3A_84 = arith.constant 60 : i32
    %dma_wait3A = arith.constant 0 : i32
    %dma_wait3A_85 = arith.constant 0 : i32
    %dma_wait3A_86 = arith.constant 2 : i32
    %dma_wait3A_87 = tpu.memref_slice %arg11[%dma_wait3A_85, %dma_wait3A_86] : memref<4x3x!tpu.dma_semaphore, #tpu.memory_space<semaphore_mem>> -> memref<1x1x!tpu.dma_semaphore, #tpu.memory_space<semaphore_mem>>
    %dma_wait3A_88 = tpu.memref_squeeze %dma_wait3A_87 : memref<1x1x!tpu.dma_semaphore, #tpu.memory_space<semaphore_mem>> -> memref<!tpu.dma_semaphore, #tpu.memory_space<semaphore_mem>>
    %dma_wait3A_89 = arith.constant 14336 : i32
    %dma_wait3A_90 = arith.constant 0 : i32
    %dma_wait3A_91 = tpu.memref_slice %arg7[%dma_wait3A_89, %dma_wait3A_90] : memref<16384x2048xf32, #tpu.memory_space<hbm>> -> memref<256x2048xf32, #tpu.memory_space<hbm>>
    %dma_wait3A_92 = arith.constant 0 : i32
    %dma_wait3A_93 = arith.constant 0 : i32
    %dma_wait3A_94 = tpu.memref_slice %arg10[%dma_wait3A, %dma_wait3A_92, %dma_wait3A_93] : memref<4x256x2048xf32, #tpu.memory_space<vmem>> -> memref<1x256x2048xf32, #tpu.memory_space<vmem>>
    %dma_wait3A_95 = tpu.memref_squeeze %dma_wait3A_94 : memref<1x256x2048xf32, #tpu.memory_space<vmem>> -> memref<256x2048xf32, #tpu.memory_space<vmem>>
    tpu.wait_dma2 semaphore(%dma_wait3A_88 : memref<!tpu.dma_semaphore, #tpu.memory_space<semaphore_mem>>) src(%dma_wait3A_95 : memref<256x2048xf32, #tpu.memory_space<vmem>>) dst(%dma_wait3A_91 : memref<256x2048xf32, #tpu.memory_space<hbm>>)
    %dma_wait3A_96 = arith.constant 1 : i32
    %dma_wait3A_97 = arith.constant 1 : i32
    %dma_wait3A_98 = arith.constant 2 : i32
    %dma_wait3A_99 = tpu.memref_slice %arg11[%dma_wait3A_97, %dma_wait3A_98] : memref<4x3x!tpu.dma_semaphore, #tpu.memory_space<semaphore_mem>> -> memref<1x1x!tpu.dma_semaphore, #tpu.memory_space<semaphore_mem>>
    %dma_wait3A_100 = tpu.memref_squeeze %dma_wait3A_99 : memref<1x1x!tpu.dma_semaphore, #tpu.memory_space<semaphore_mem>> -> memref<!tpu.dma_semaphore, #tpu.memory_space<semaphore_mem>>
    %dma_wait3A_101 = arith.constant 14592 : i32
    %dma_wait3A_102 = arith.constant 0 : i32
    %dma_wait3A_103 = tpu.memref_slice %arg7[%dma_wait3A_101, %dma_wait3A_102] : memref<16384x2048xf32, #tpu.memory_space<hbm>> -> memref<256x2048xf32, #tpu.memory_space<hbm>>
    %dma_wait3A_104 = arith.constant 0 : i32
    %dma_wait3A_105 = arith.constant 0 : i32
    %dma_wait3A_106 = tpu.memref_slice %arg10[%dma_wait3A_96, %dma_wait3A_104, %dma_wait3A_105] : memref<4x256x2048xf32, #tpu.memory_space<vmem>> -> memref<1x256x2048xf32, #tpu.memory_space<vmem>>
    %dma_wait3A_107 = tpu.memref_squeeze %dma_wait3A_106 : memref<1x256x2048xf32, #tpu.memory_space<vmem>> -> memref<256x2048xf32, #tpu.memory_space<vmem>>
    tpu.wait_dma2 semaphore(%dma_wait3A_100 : memref<!tpu.dma_semaphore, #tpu.memory_space<semaphore_mem>>) src(%dma_wait3A_107 : memref<256x2048xf32, #tpu.memory_space<vmem>>) dst(%dma_wait3A_103 : memref<256x2048xf32, #tpu.memory_space<hbm>>)
    %dma_wait3A_108 = arith.constant 2 : i32
    %dma_wait3A_109 = arith.constant 2 : i32
    %dma_wait3A_110 = arith.constant 2 : i32
    %dma_wait3A_111 = tpu.memref_slice %arg11[%dma_wait3A_109, %dma_wait3A_110] : memref<4x3x!tpu.dma_semaphore, #tpu.memory_space<semaphore_mem>> -> memref<1x1x!tpu.dma_semaphore, #tpu.memory_space<semaphore_mem>>
    %dma_wait3A_112 = tpu.memref_squeeze %dma_wait3A_111 : memref<1x1x!tpu.dma_semaphore, #tpu.memory_space<semaphore_mem>> -> memref<!tpu.dma_semaphore, #tpu.memory_space<semaphore_mem>>
    %dma_wait3A_113 = arith.constant 14848 : i32
    %dma_wait3A_114 = arith.constant 0 : i32
    %dma_wait3A_115 = tpu.memref_slice %arg7[%dma_wait3A_113, %dma_wait3A_114] : memref<16384x2048xf32, #tpu.memory_space<hbm>> -> memref<256x2048xf32, #tpu.memory_space<hbm>>
    %dma_wait3A_116 = arith.constant 0 : i32
    %dma_wait3A_117 = arith.constant 0 : i32
    %dma_wait3A_118 = tpu.memref_slice %arg10[%dma_wait3A_108, %dma_wait3A_116, %dma_wait3A_117] : memref<4x256x2048xf32, #tpu.memory_space<vmem>> -> memref<1x256x2048xf32, #tpu.memory_space<vmem>>
    %dma_wait3A_119 = tpu.memref_squeeze %dma_wait3A_118 : memref<1x256x2048xf32, #tpu.memory_space<vmem>> -> memref<256x2048xf32, #tpu.memory_space<vmem>>
    tpu.wait_dma2 semaphore(%dma_wait3A_112 : memref<!tpu.dma_semaphore, #tpu.memory_space<semaphore_mem>>) src(%dma_wait3A_119 : memref<256x2048xf32, #tpu.memory_space<vmem>>) dst(%dma_wait3A_115 : memref<256x2048xf32, #tpu.memory_space<hbm>>)
    %dma_wait3A_120 = arith.constant 3 : i32
    %dma_wait3A_121 = arith.constant 3 : i32
    %dma_wait3A_122 = arith.constant 2 : i32
    %dma_wait3A_123 = tpu.memref_slice %arg11[%dma_wait3A_121, %dma_wait3A_122] : memref<4x3x!tpu.dma_semaphore, #tpu.memory_space<semaphore_mem>> -> memref<1x1x!tpu.dma_semaphore, #tpu.memory_space<semaphore_mem>>
    %dma_wait3A_124 = tpu.memref_squeeze %dma_wait3A_123 : memref<1x1x!tpu.dma_semaphore, #tpu.memory_space<semaphore_mem>> -> memref<!tpu.dma_semaphore, #tpu.memory_space<semaphore_mem>>
    %dma_wait3A_125 = arith.constant 15104 : i32
    %dma_wait3A_126 = arith.constant 0 : i32
    %dma_wait3A_127 = tpu.memref_slice %arg7[%dma_wait3A_125, %dma_wait3A_126] : memref<16384x2048xf32, #tpu.memory_space<hbm>> -> memref<256x2048xf32, #tpu.memory_space<hbm>>
    %dma_wait3A_128 = arith.constant 0 : i32
    %dma_wait3A_129 = arith.constant 0 : i32
    %dma_wait3A_130 = tpu.memref_slice %arg10[%dma_wait3A_120, %dma_wait3A_128, %dma_wait3A_129] : memref<4x256x2048xf32, #tpu.memory_space<vmem>> -> memref<1x256x2048xf32, #tpu.memory_space<vmem>>
    %dma_wait3A_131 = tpu.memref_squeeze %dma_wait3A_130 : memref<1x256x2048xf32, #tpu.memory_space<vmem>> -> memref<256x2048xf32, #tpu.memory_space<vmem>>
    tpu.wait_dma2 semaphore(%dma_wait3A_124 : memref<!tpu.dma_semaphore, #tpu.memory_space<semaphore_mem>>) src(%dma_wait3A_131 : memref<256x2048xf32, #tpu.memory_space<vmem>>) dst(%dma_wait3A_127 : memref<256x2048xf32, #tpu.memory_space<hbm>>)
    return
  }
}

</mosaic_0001>

<sc_bundles>
// kernel: kernel.4.cloned.1.call-start
scs
__scs_entry_jumppad:
0x0: {  	(pc) =	sbr.rel $0x88, $3  }
0x1: {  	(tag) =	ssettag $0x0;
	lr =	simm.s32 $0x1  }
0x2: {  	[smem:$0x3F9A] =	sst lr;
	_ =	strace $0xD0000000  }
0x3: {  	_ = 	snop  }
0x4: {  	_ = 	snop  }
0x5: {  	_ = 	snop  }
0x6: {  	_ = 	snop  }
0x7: {  	_ = 	snop  }
__scs_overlays_trampoline_lowered:
0x8: {  	[smem:$0x3FA9] =	sst s0  }
0x9: {  	[smem:$0x3FAA] =	sst s1  }
0xa: {  	[smem:$0x3FAB] =	sst s2  }
0xb: {  	[smem:$0x3FAC] =	sst s3  }
0xc: {  	[smem:$0x3FAD] =	sst s4  }
0xd: {  	[smem:$0x3FAE] =	sst s5  }
0xe: {  	[smem:$0x3FAF] =	sst s6  }
0xf: {  	[smem:$0x3FB0] =	sst s7  }
0x10: {  	[smem:$0x3FB1] =	sst s8  }
0x11: {  	[smem:$0x3FB2] =	sst s9;
	s0 =	simm.s32 @!p0 $0x0  }
0x12: {  	s1 =	sld [smem:$0x3F98];
	s0 =	simm.s32 @p0 $0x1  }
0x13: {  	[smem:$0x3FB3] =	sst s0;
	s0 =	simm.s32 @!p1 $0x0  }
0x14: {  	s2 =	sld [smem:$0x3F97];
	s0 =	simm.s32 @p1 $0x1  }
0x15: {  	[smem:$0x3FB4] =	sst s0;
	s0 =	simm.s32 @!p2 $0x0  }
0x16: {  	s3 =	sld [smem:$0x3FDB];
	s0 =	simm.s32 @p2 $0x1  }
0x17: {  	s4 =	simm.s32 $0x1BF5;
	[smem:$0x3FB6] =	sst s0  }
0x18: {  	s0 =	sld [smem:$0x3F99];
	_ =	swait.ge [sflag:s4], $0x0  }
0x19: {  	s7 =	sld [smem:$0x3F9A]  }
0x1a: {  	s8 =	sadd.s32 $0xFFFFE003, lr  }
0x1b: {  	s9 =	sadd.s32 $0xFFFFFEF7, lr;
	s5 =	simm.s32 $0xFFFFFFFF;
	p2 =	slt.u32 s8, $0xFFFFF086  }
0x1c: {  	p1 =	slt.u32 s9, $0xF7A;
	s5 =	simm.s32 @!p2 $0x0  }
0x1d: {  	s5 =	simm.s32 @p1 $0x1;
	p0 =	seq.s32 s7, s2  }
0x1e: {  	s7 =	smul.u32 @!p0 $0xF7A, s2;
	p2 =	seq.s32 @!p0 s5, $0x0  }
0x1f: {  	s9 =	smul.u32 $0xF7A, s1;
	s8 =	simm.s32 @!p0 $0x1BF5;
	p2 =	por !p2, p0  }
0x20: {  	[sflag:s8] =	ssyncset.s32 @!p0 $0xFFFFF086;
	s6 =	sadd.s32 @!p0 s3, s7;
	s7 =	simm.s32 @!p0 $0x108  }
0x21: {  	s3 =	sadd.s32 s3, s9;
	s6 =	sadd.s32 @!p0 $0x88, s6;
	s7 =	simm.s32 @p2 $0x1082  }
0x22: {  	[simem:s7], [sflag:s8] =	dma.local @!p0 [hbm:s6], $0xF7A  }
0x23: {  	s9 =	sor.u32 $0xD0000000, s2;
	s6 =	simm.s32 $0x108;
	_ =	swait.ge @!p0 [sflag:s8], $0x0  }
0x24: {  	s3 =	sadd.s32 $0x88, s3;
	s6 =	simm.s32 @!p1 $0x1082;
	[sflag:s4] =	ssyncset.s32 $0xFFFFF086  }
0x25: {  	[simem:s6], [sflag:s4] =	dma.local [hbm:s3], $0xF7A  }
0x26: {  	[smem:$0x3F9A] =	sst s1;
	(tag) =	ssettag s2;
	_ =	strace s9  }
0x27: {  	s1 =	sld [smem:$0x3FAA]  }
0x28: {  	s2 =	sld [smem:$0x3FAB]  }
0x29: {  	s4 =	sld [smem:$0x3FAD]  }
0x2a: {  	p0 =	seq.s32 s5, $0x0;
	s5 =	sld [smem:$0x3FAE]  }
0x2b: {  	s6 =	sld [smem:$0x3FAF]  }
0x2c: {  	s7 =	sld [smem:$0x3FB0]  }
0x2d: {  	s3 =	simm.s32 $0x108;
	s8 =	sld [smem:$0x3FB1]  }
0x2e: {  	s3 =	simm.s32 @!p0 $0x1082;
	s9 =	sld [smem:$0x3FB2]  }
0x2f: {  	lr =	sadd.s32 s0, s3;
	s0 =	sld [smem:$0x3FA9]  }
0x30: {  	s3 =	sld [smem:$0x3FAC]  }
0x31: {  	[smem:$0x3FB5] =	sst s10  }
0x32: {  	s10 =	sld [smem:$0x3FB3];
	_ =	sdelay $0x3  }
0x33: {  	p0 =	seq.s32 s10, $0x1;
	s10 =	sld [smem:$0x3FB5];
	_ =	sdelay $0x3  }
0x34: {  	[smem:$0x3FB5] =	sst s10  }
0x35: {  	s10 =	sld [smem:$0x3FB4];
	_ =	sdelay $0x3  }
0x36: {  	p1 =	seq.s32 s10, $0x1;
	s10 =	sld [smem:$0x3FB5];
	_ =	sdelay $0x3  }
0x37: {  	[smem:$0x3FB5] =	sst s10  }
0x38: {  	s10 =	sld [smem:$0x3FB6]  }
0x39: {  	_ = 	snop;
	(pc) =	sbr.ind lr, $3  }
0x3a: {  	_ = 	snop  }
0x3b: {  	_ = 	snop  }
0x3c: {  	p2 =	seq.s32 s10, $0x1;
	s10 =	sld [smem:$0x3FB5]  }
0x3d: {  	_ =	shalt  }
0x3e: {  	_ =	shalt  }
0x3f: {  	_ =	shalt  }
0x40: {  	_ =	shalt  }
0x41: {  	_ =	shalt  }
0x42: {  	_ =	shalt  }
0x43: {  	_ =	shalt  }
0x44: {  	_ =	shalt  }
0x45: {  	_ =	shalt  }
0x46: {  	_ =	shalt  }
0x47: {  	_ =	shalt  }
0x48: {  	_ =	shalt  }
0x49: {  	_ =	shalt  }
0x4a: {  	_ =	shalt  }
0x4b: {  	_ =	shalt  }
0x4c: {  	_ =	shalt  }
0x4d: {  	_ =	shalt  }
0x4e: {  	_ =	shalt  }
0x4f: {  	_ =	shalt  }
0x50: {  	_ =	shalt  }
0x51: {  	_ =	shalt  }
0x52: {  	_ =	shalt  }
0x53: {  	_ =	shalt  }
0x54: {  	_ =	shalt  }
0x55: {  	_ =	shalt  }
0x56: {  	_ =	shalt  }
0x57: {  	_ =	shalt  }
0x58: {  	_ =	shalt  }
0x59: {  	_ =	shalt  }
0x5a: {  	_ =	shalt  }
0x5b: {  	_ =	shalt  }
0x5c: {  	_ =	shalt  }
0x5d: {  	_ =	shalt  }
0x5e: {  	_ =	shalt  }
0x5f: {  	_ =	shalt  }
0x60: {  	_ =	shalt  }
0x61: {  	_ =	shalt  }
0x62: {  	_ =	shalt  }
0x63: {  	_ =	shalt  }
0x64: {  	_ =	shalt  }
0x65: {  	_ =	shalt  }
0x66: {  	_ =	shalt  }
0x67: {  	_ =	shalt  }
0x68: {  	_ =	shalt  }
0x69: {  	_ =	shalt  }
0x6a: {  	_ =	shalt  }
0x6b: {  	_ =	shalt  }
0x6c: {  	_ =	shalt  }
0x6d: {  	_ =	shalt  }
0x6e: {  	_ =	shalt  }
0x6f: {  	_ =	shalt  }
0x70: {  	_ =	shalt  }
0x71: {  	_ =	shalt  }
0x72: {  	_ =	shalt  }
0x73: {  	_ =	shalt  }
0x74: {  	_ =	shalt  }
0x75: {  	_ =	shalt  }
0x76: {  	_ =	shalt  }
0x77: {  	_ =	shalt  }
0x78: {  	_ =	shalt  }
0x79: {  	_ =	shalt  }
0x7a: {  	_ =	shalt  }
0x7b: {  	_ =	shalt  }
0x7c: {  	_ =	shalt  }
0x7d: {  	_ =	shalt  }
0x7e: {  	_ =	shalt  }
0x7f: {  	_ =	shalt  }
0x80: {  	_ =	shalt  }
0x81: {  	_ =	shalt  }
0x82: {  	_ =	shalt  }
0x83: {  	_ =	shalt  }
0x84: {  	_ =	shalt  }
0x85: {  	_ =	shalt  }
0x86: {  	_ =	shalt  }
0x87: {  	_ =	shalt  }
.Lfunc_end0:
.L_simem_size_0:
called_computation_lowered:
.L_overlay_start_0:
0x88: {  	s2 =	sld [smem:$0x3FD9]  }
0x89: {  	s3 =	sld [smem:$0x3FFE];
	_ =	sdelay $0x1  }
0x8a: {  	s1 =	srdreg.scid  }
0x8b: {  	s0 =	sand.u32 $0x1, s1  }
0x8c: {  	s17 =	sshll.u32 s0, $0xA;
	s2 =	sadd.s32 s3, s2  }
0x8d: {  	s2 =	sadd.s32 s2, s17  }
0x8e: {  	[smem:$0x3FC1] =	sst s2  }
0x8f: {  	_ = 	snop  }
0x90: {  	s2 =	sld [smem:$0x3FC8];
	(tm) =	ssettm $0x1  }
0x91: {  	s18 =	sld [smem:$0x3FFB];
	_ =	sdelay $0x3  }
0x92: {  	_ =	strace s18  }
0x93: {  	s3 =	sld [smem:$0x3FFC];
	_ =	sdelay $0x3  }
0x94: {  	_ =	strace s3  }
0x95: {  	s3 =	sld [smem:$0x3FFD];
	_ =	sdelay $0x3  }
0x96: {  	_ =	strace s3  }
0x97: {  	_ =	strace $0x8FFFFFFF  }
0x98: {  	s19 =	sld [smem:$0x3FDB];
	_ =	sdelay $0x1  }
0x99: {  	s4 =	simm.s32 $_scs_section_size  }
0x9a: {  	s5 =	simm.s32 $_size__tile_overlayer_lowered;
	s6 =	simm.s32 $_tile_overlayer_lowered  }
0x9b: {  	s22 =	simm.s32 $0x1BFF;
	s21 =	sshll.u32 s6, $0x1;
	s3 =	sadd.s32 s4, s19  }
0x9c: {  	s7 =	simm.s32 $0x0;
	s20 =	sshll.u32 s5, $0x1;
	s5 =	sadd.s32 s21, s3  }
0x9d: {  	[timem:s7], [sflag:s22] =	dma.local [hbm:s5], s20  }
0x9e: {  	_ =	swait.ge [sflag:s22], s20  }
0x9f: {  	s4 =	ssub.s32 $0x0, s20;
	[sflag:s22] =	ssyncset.done $0x0  }
0xa0: {  	[sflag:s22] =	ssyncadd.s32 s4;
	_ =	sdelay $0x1  }
0xa1: {  	s23 =	simm.s32 $0x1B8B  }
0xa2: {  	_ =	swait.ge [sflag:s23], $0x1  }
0xa3: {  	[sflag:s23] =	ssyncset.done $0x0  }
0xa4: {  	s25 =	simm.s32 $0x1B8E;
	s24 =	sld [smem:$0x3FFE];
	[sflag:s23] =	ssyncadd.s32 $0xFFFFFFFF  }
0xa5: {  	s26 =	simm.s32 $execute0_lowered;
	[smem:$0x3FD2] =	sst s25  }
0xa6: {  	s5 =	sshll.u32 s26, $0x1;
	_ =	strace $0x80000046;
	[dreg:$0x1] =	wrdreg $0xFFFFFFFF  }
0xa7: {  	s28 =	simm.s32 $_size_execute0_lowered;
	s3 =	sadd.s32 s3, s5;
	[dreg:$0x0] =	wrdreg $0x0  }
0xa8: {  	s5 =	sshll.u32 s28, $0x1;
	[dreg:$0x2] =	wrdreg s3  }
0xa9: {  	[dreg:$0x3] =	wrdreg s5  }
0xaa: {  	[dreg:$0x4] =	wrdreg $0xC0  }
0xab: {  	_ =	task [dreg:s7], $0x5FFFF  }
0xac: {  	[dreg:$0x1] =	wrdreg $0xFFFFFFFF  }
0xad: {  	[dreg:$0x0] =	wrdreg $0x60  }
0xae: {  	[dreg:$0x2] =	wrdreg s24  }
0xaf: {  	[dreg:$0x3] =	wrdreg s2  }
0xb0: {  	[dreg:$0x4] =	wrdreg $0x9  }
0xb1: {  	_ =	task.clear_ibuf [dreg:s7], $0x5FFFF;
	_ =	strace $0x90000046  }
0xb2: {  	s29 =	simm.s32 $0x9;
	_ =	strace $0x80000048  }
0xb3: {  	_ =	swait.ge [sflag:s29], $0x1  }
0xb4: {  	[sflag:s29] =	ssyncadd.s32 $0xFFFFFFFF  }
0xb5: {  	_ =	strace $0x90000048  }
0xb6: {  	_ =	sfence  }
0xb7: {  	s30 =	sld [smem:$0x0];
	_ =	sdelay $0x2  }
0xb8: {  	s31 =	sshll.u32 s1, $0xD;
	s1 =	sshrl.u32 s1, $0x2  }
0xb9: {  	s3 =	sand.u32 $0x4000, s31;
	s1 =	sadd.s32 s1, s30  }
0xba: {  	s0 =	sor.u32 s3, s0;
	s1 =	sshll.u32 s1, $0x11  }
0xbb: {  	s0 =	sor.u32 s1, s0  }
0xbc: {  	s0 =	sadd.s32 $0x8F2B, s0  }
0xbd: {  	[sflag:s0] =	ssyncadd.remote.s32 $0x1  }
0xbe: {  	_ =	sfence.sel $0xFFFF  }
0xbf: {  	[dreg:$0x0] =	wrdreg $0xFFFFFFFF;
	(pc) =	sbr.abs _section_cstart, $3  }
0xc0: {  	[dreg:$0x1] =	wrdreg $0xFFFFFFFF  }
0xc1: {  	_ =	task.clear_ibuf [dreg:s7], $0x2FFFF;
	_ =	strace $0x9FFFFFFF  }
0xc2: {  	(tm) =	ssettm $0x7FFFFFFF  }
0xc3: {  	_ =	shalt  }
tec
execute0_lowered:
.L_overlay_start_1:
0x0: {  	(tag) =	ssettag $0x1  }
0x1: {  	s7 =	rddreg [dreg:$0x0]  }
0x2: {  	s2 =	rddreg [dreg:$0x1]  }
0x3: {  	s0 =	rddreg [dreg:$0x2]  }
0x4: {  	s4 =	srdreg.scid;
	s1 =	stileid.u32;
	s3 =	simm.s32 $0x0  }
0x5: {  	s17 =	simm.s32 $0x11280;
	s18 =	simm.s32 $0x11300;
	s19 =	simm.s32 $0x10200  }
0x6: {  	s20 =	simm.s32 $0x10000;
	s21 =	simm.s32 $0x0;
	s6 =	sand.u32 $0x1, s4  }
0x7: {  	s31 =	sshll.u32 s1, $0x1;
	[smem:$0x7FF] =	sst s3;
	s13 =	sadd.s32 $0x1600, s7  }
0x8: {  	s14 =	sadd.s32 $0x41600, s7;
	s5 =	sadd.s32 $0x81A00, s7;
	s15 =	sadd.s32 $0x81C00, s7  }
0x9: {  	s8 =	sor.u32 s6, s31;
	_ =	strace $0x80000047;
	s10 =	ssub.s32 $0x2, s6  }
0xa: {  	s6 =	sadd.s32 $0x81800, s7;
	s4 =	sshll.u32 s8, $0x6;
	s11 =	sshrl.u32 s10, $0x1  }
0xb: {  	s12 =	sshll.u32 s8, $0xD;
	s9 =	sadd.s32 s4, s7;
	s4 =	sadd.s32 $0x81600, s7  }
0xc: {  	s10 =	ssub.s32 s10, s11;
	s16 =	sor.u32 $0x1000, s12;
	s11 =	sadd.s32 s14, s12  }
0xd: {  	s7 =	sadd.s32 $0xE00, s9;
	s8 =	sadd.s32 s15, s16;
	s9 =	smax.u32 s10, $0x1  }
0xe: {  	s10 =	sadd.s32 s13, s12;
	s12 =	sadd.s32 s15, s12;
	s13 =	sadd.s32 s13, s16  }
0xf: {  	s14 =	sadd.s32 s14, s16;
	s15 =	simm.s32 $0x11200;
	s16 =	simm.s32 $0x1  }
.LBB2_1:
0x10: {  	[tilespmem:s15], [sflag:$0x1] =	stream.linear.gather [hbm4b:s4+s3], $0x80, $0x38;
	[tilespmem:$0x11380] =	vst v63  }
0x11: {  	_ =	swait.ge [sflag:s16], $0x80  }
0x12: {  	[sflag:s16] =	ssyncset.done $0x0  }
0x13: {  	[sflag:s16] =	ssyncadd.s32 $0xFFFFFF80  }
0x14: {  	[tilespmem:s17], [sflag:$0x1] =	stream.linear.gather [hbm4b:s5+s3], $0x80, $0x38;
	[tilespmem:$0x11380] =	vst v63  }
0x15: {  	_ =	swait.ge [sflag:s16], $0x80  }
0x16: {  	[sflag:s16] =	ssyncset.done $0x0  }
0x17: {  	[sflag:s16] =	ssyncadd.s32 $0xFFFFFF80  }
0x18: {  	[tilespmem:s18], [sflag:$0x1] =	stream.linear.gather [hbm4b:s6+s3], $0x80, $0x38;
	[tilespmem:$0x11380] =	vst v63  }
0x19: {  	_ =	swait.ge [sflag:s16], $0x80  }
0x1a: {  	[sflag:s16] =	ssyncset.done $0x0  }
0x1b: {  	[sflag:s16] =	ssyncadd.s32 $0xFFFFFF80  }
0x1c: {  	[tilespmem:s19], [sflag:$0x1] =	stream.linear.gather [hbm4b:s2+s3], $0x800, $0x38;
	[tilespmem:$0x11380] =	vst v63  }
0x1d: {  	_ =	swait.ge [sflag:s16], $0x800  }
0x1e: {  	[sflag:s16] =	ssyncset.done $0x0  }
0x1f: {  	[sflag:s16] =	ssyncadd.s32 $0xFFFFF800  }
0x20: {  	[tilespmem:s20], [sflag:$0x1] =	stream.linear.gather [hbm4b:s7+s3], $0x200, $0x38;
	[tilespmem:$0x11380] =	vst v63  }
0x21: {  	_ =	swait.ge [sflag:s16], $0x200  }
0x22: {  	[sflag:s16] =	ssyncset.done $0x0  }
0x23: {  	[sflag:s16] =	ssyncadd.s32 $0xFFFFFE00  }
0x24: {  	v0 =	vld [tilespmem:$0x11200]  }
0x25: {  	s22 =	simm.s32 $0x0;
	v2 =	vld [tilespmem:$0x11300]  }
0x26: {  	v3 =	vld [tilespmem:s22+$0x10200]  }
0x27: {  	s23 =	simm.s32 $0x40;
	v1 =	vld [tilespmem:$0x11280]  }
.LBB2_2:
0x28: {  	p0 =	sne.s32 s23, $0x1FC0  }
.Ltmp0:
0x29: {  	_ = 	snop;
	(pc) =	sbr.rel @p0 .LBB2_2-.Ltmp0, $4  }
0x2a: {  	_ = 	snop  }
0x2b: {  	s24 =	sshra.s32 s23, $0x2;
	s23 =	sadd.s32 $0x40, s23;
	v4 =	vmul.f32 v3, v2  }
0x2c: {  	v3 =	vld [tilespmem:s24+$0x10200]  }
0x2d: {  	[tilespmem:s22+$0x10A00] =	vst v4;
	s22 =	smov.u32 s24  }
0x2e: {  	_ =	sdelay $0x2  }
0x2f: {  	v2 =	vmul.f32 v3, v2;
	_ =	sdelay $0x1  }
0x30: {  	[tilespmem:s22+$0x10A00] =	vst v2;
	s22 =	simm.s32 $0x0  }
0x31: {  	[tilespmem:s22], [sflag:$0x1] =	stream.linear.gather [hbm4b:s10+s22], $0x8000, $0x38;
	[tilespmem:$0x11380] =	vst v63  }
0x32: {  	_ =	swait.ge [sflag:s16], $0x8000  }
0x33: {  	[sflag:s16] =	ssyncset.done $0x0  }
0x34: {  	s23 =	simm.s32 $0x8000;
	[sflag:s16] =	ssyncadd.s32 $0xFFFF8000  }
0x35: {  	[tilespmem:s23], [sflag:$0x1] =	stream.linear.gather [hbm4b:s11+s22], $0x8000, $0x38;
	[tilespmem:$0x11380] =	vst v63  }
0x36: {  	_ =	swait.ge [sflag:s16], $0x8000  }
0x37: {  	[sflag:s16] =	ssyncset.done $0x0  }
0x38: {  	s24 =	simm.s32 $0x0;
	[sflag:s16] =	ssyncadd.s32 $0xFFFF8000  }
.LBB2_4:
0x39: {  	v2 =	vmov s22  }
0x3a: {  	v4 =	vmov s23  }
0x3b: {  	s25 =	sshll.u32 s24, $0x4  }
0x3c: {  	s25 =	sand.u32 $0xF0, s25  }
0x3d: {  	v3 =	vld [tilespmem:s25+$0x10000];
	s25 =	simm.s32 $0x0  }
0x3e: {  	s26 =	simm.s32 $0x40;
	v5 =	vld.idx.msk [tilespmem:v2+s25+$0x0 ss:$0x1], $0xffff  }
.LBB2_5:
0x3f: {  	p0 =	sne.s32 s26, $0x1FC0;
	v6 =	vld.idx.msk [tilespmem:v4+s25+$0x0 ss:$0x1], $0xffff;
	_ =	sdelay $0x2  }
0x40: {  	v7 =	vld [tilespmem:s25+$0x10A00];
	_ =	sdelay $0x2  }
0x41: {  	v5 =	vmul.f32 v5, v0;
	v6 =	vmul.f32 v6, v1;
	_ =	sdelay $0x1  }
0x42: {  	v5 =	vadd.f32 v6, v5;
	v6 =	vmul.f32 v7, v3  }
.Ltmp1:
0x43: {  	(pc) =	sbr.rel @p0 .LBB2_5-.Ltmp1, $3  }
0x44: {  	v5 =	vadd.f32 v6, v5;
	_ =	sdelay $0x1  }
0x45: {  	[tilespmem:v2+s25+$0x0 ss:$0x1] =	vst.idx.msk $0xffff, v5;
	s25 =	sshra.s32 s26, $0x2  }
0x46: {  	s26 =	sadd.s32 $0x40, s26;
	v5 =	vld.idx.msk [tilespmem:v2+s25+$0x0 ss:$0x1], $0xffff  }
0x47: {  	_ =	sdelay $0x3  }
0x48: {  	v4 =	vld.idx.msk [tilespmem:v4+s25+$0x0 ss:$0x1], $0xffff;
	_ =	sdelay $0x1  }
0x49: {  	v6 =	vld [tilespmem:s25+$0x10A00];
	_ =	sdelay $0x2  }
0x4a: {  	s24 =	sadd.s32 $0x1, s24;
	v5 =	vmul.f32 v5, v0;
	v4 =	vmul.f32 v4, v1  }
0x4b: {  	p0 =	sne.s32 s24, $0x10  }
.Ltmp2:
0x4c: {  	v3 =	vmul.f32 v6, v3;
	v4 =	vadd.f32 v4, v5;
	(pc) =	sbr.rel @p0 .LBB2_4-.Ltmp2, $3  }
0x4d: {  	_ = 	snop  }
0x4e: {  	v3 =	vadd.f32 v3, v4;
	_ =	sdelay $0x1  }
0x4f: {  	s22 =	sadd.s32 $0x800, s22;
	s23 =	sadd.s32 $0x800, s23;
	[tilespmem:v2+s25+$0x0 ss:$0x1] =	vst.idx.msk $0xffff, v3  }
0x50: {  	s22 =	simm.s32 $0x0  }
0x51: {  	[hbm4b:s12+s22] =	stream.linear.scatter [tilespmem:s22], [sflag:$0x1], $0x8000, $0x38;
	[tilespmem:$0x11380] =	vst v63  }
0x52: {  	_ =	swait.ge [sflag:s16], $0x8000  }
0x53: {  	[sflag:s16] =	ssyncset.done $0x0  }
0x54: {  	[sflag:s16] =	ssyncadd.s32 $0xFFFF8000  }
0x55: {  	[tilespmem:s22], [sflag:$0x1] =	stream.linear.gather [hbm4b:s13+s22], $0x8000, $0x38;
	[tilespmem:$0x11380] =	vst v63  }
0x56: {  	_ =	swait.ge [sflag:s16], $0x8000  }
0x57: {  	[sflag:s16] =	ssyncset.done $0x0  }
0x58: {  	s23 =	simm.s32 $0x8000;
	[sflag:s16] =	ssyncadd.s32 $0xFFFF8000  }
0x59: {  	[tilespmem:s23], [sflag:$0x1] =	stream.linear.gather [hbm4b:s14+s22], $0x8000, $0x38;
	[tilespmem:$0x11380] =	vst v63  }
0x5a: {  	_ =	swait.ge [sflag:s16], $0x8000  }
0x5b: {  	[sflag:s16] =	ssyncset.done $0x0  }
0x5c: {  	s24 =	simm.s32 $0x0;
	[sflag:s16] =	ssyncadd.s32 $0xFFFF8000  }
.LBB2_8:
0x5d: {  	v2 =	vmov s22  }
0x5e: {  	v4 =	vmov s23  }
0x5f: {  	s25 =	sshll.u32 s24, $0x4  }
0x60: {  	s25 =	sand.u32 $0xF0, s25  }
0x61: {  	v3 =	vld [tilespmem:s25+$0x10100];
	s25 =	simm.s32 $0x0  }
0x62: {  	s26 =	simm.s32 $0x40;
	v5 =	vld.idx.msk [tilespmem:v2+s25+$0x0 ss:$0x1], $0xffff  }
.LBB2_9:
0x63: {  	p0 =	sne.s32 s26, $0x1FC0;
	v6 =	vld.idx.msk [tilespmem:v4+s25+$0x0 ss:$0x1], $0xffff;
	_ =	sdelay $0x2  }
0x64: {  	v7 =	vld [tilespmem:s25+$0x10A00];
	_ =	sdelay $0x2  }
0x65: {  	v5 =	vmul.f32 v5, v0;
	v6 =	vmul.f32 v6, v1;
	_ =	sdelay $0x1  }
0x66: {  	v5 =	vadd.f32 v6, v5;
	v6 =	vmul.f32 v7, v3  }
.Ltmp3:
0x67: {  	(pc) =	sbr.rel @p0 .LBB2_9-.Ltmp3, $3  }
0x68: {  	v5 =	vadd.f32 v6, v5;
	_ =	sdelay $0x1  }
0x69: {  	[tilespmem:v2+s25+$0x0 ss:$0x1] =	vst.idx.msk $0xffff, v5;
	s25 =	sshra.s32 s26, $0x2  }
0x6a: {  	s26 =	sadd.s32 $0x40, s26;
	v5 =	vld.idx.msk [tilespmem:v2+s25+$0x0 ss:$0x1], $0xffff  }
0x6b: {  	_ =	sdelay $0x3  }
0x6c: {  	v4 =	vld.idx.msk [tilespmem:v4+s25+$0x0 ss:$0x1], $0xffff;
	_ =	sdelay $0x1  }
0x6d: {  	v6 =	vld [tilespmem:s25+$0x10A00];
	_ =	sdelay $0x2  }
0x6e: {  	s24 =	sadd.s32 $0x1, s24;
	v5 =	vmul.f32 v5, v0;
	v4 =	vmul.f32 v4, v1  }
0x6f: {  	p0 =	sne.s32 s24, $0x10  }
.Ltmp4:
0x70: {  	v3 =	vmul.f32 v6, v3;
	v4 =	vadd.f32 v4, v5;
	(pc) =	sbr.rel @p0 .LBB2_8-.Ltmp4, $3  }
0x71: {  	_ = 	snop  }
0x72: {  	v3 =	vadd.f32 v3, v4;
	_ =	sdelay $0x1  }
0x73: {  	s23 =	sadd.s32 $0x800, s23;
	s22 =	sadd.s32 $0x800, s22;
	[tilespmem:v2+s25+$0x0 ss:$0x1] =	vst.idx.msk $0xffff, v3  }
0x74: {  	s21 =	sadd.s32 $0x1, s21  }
0x75: {  	p0 =	sne.s32 s21, s9  }
.Ltmp5:
0x76: {  	_ = 	snop;
	(pc) =	sbr.rel @p0 .LBB2_1-.Ltmp5, $4  }
0x77: {  	[hbm4b:s8+s3] =	stream.linear.scatter [tilespmem:s3], [sflag:$0x1], $0x8000, $0x38;
	[tilespmem:$0x11380] =	vst v63  }
0x78: {  	_ =	swait.ge [sflag:s16], $0x8000  }
0x79: {  	[sflag:s16] =	ssyncset.done $0x0  }
0x7a: {  	[sflag:s16] =	ssyncadd.s32 $0xFFFF8000  }
0x7b: {  	_ =	sfence.sel $0x180000  }
0x7c: {  	[bflag:$0x0] =	sbarrier.arrive $0xFFFF  }
0x7d: {  	p0 =	sne.s32 s1, $0x0;
	_ =	strace $0x90000047  }
0x7e: {  	s0 =	sadd.s32 @!p0 $0x100000, s0;
	[bflag:$0x2] =	sbarrier.arrive $0xFFFF  }
0x7f: {  	[sflag:s0] =	ssyncadd.tile.s32 @!p0 $0x1;
	_ =	shalt  }
.Lfunc_end2:
_tile_overlayer_lowered:
.L_overlay_start_2:
0x80: {  	(tag) =	ssettag $0x2  }
0x81: {  	s0 =	rddreg [dreg:$0x0];
	s2 =	stileid.u32  }
0x82: {  	s1 =	rddreg [dreg:$0x1];
	p0 =	sne.s32 s2, $0x0  }
0x83: {  	s3 =	rddreg [dreg:$0x2];
	[bflag:$0x3] =	sbarrier.arrive $0xFFFF;
	s2 =	simm.s32 @!p0 $0x1C01  }
0x84: {  	[timem:s3], [sflag:s2] =	dma.local @!p0 [hbm:s0], s1  }
0x85: {  	s0 =	simm.s32 @!p0 $0x1  }
0x86: {  	_ =	swait.ge @!p0 [sflag:s0], s1  }
0x87: {  	s1 =	ssub.s32 @!p0 $0x0, s1;
	[sflag:s0] =	ssyncset.done @!p0 $0x0  }
0x88: {  	[sflag:s0] =	ssyncadd.s32 @!p0 s1  }
0x89: {  	[bflag:$0x3] =	sbarrier.arrive $0xFFFF  }
0x8a: {  	_ =	shalt  }

</sc_bundles>
